<compile_context>
chip_gen: v7x
topology: tpu7x:2x2x1
jax: 0.10.2.dev20260603
libtpu: 0.0.44.dev20260713+nightly
codegen_flags: <defaults>
</compile_context>

<pallas_src>
import functools

import jax
import jax.numpy as jnp
from jax import lax
from jax.experimental import pallas as pl
from jax.experimental.pallas import tpu as pltpu
from jax.experimental.pallas import tpu_sc as plsc

B, N, D, L = 16, 128, 256, 512
_NC, _NS = 2, 16
_NW = _NC * _NS
_ROWS = B * N
_RPW = _ROWS // _NW
_Q = L // 128


def _hist_body(graph_hbm, counts_hbm, g_v, c_v, sem):
    wid = lax.axis_index("s") * _NC + lax.axis_index("c")
    base = wid * _RPW
    cp = pltpu.async_copy(graph_hbm.at[pl.ds(base, _RPW)], g_v, sem)
    zeros = jnp.zeros((16,), jnp.int32)

    @plsc.parallel_loop(0, _RPW, step=2, unroll=4)
    def zero_chunk(k):
        for h in range(2):
            for t in range(8):
                c_v[k + h, pl.ds(t * 16, 16)] = zeros

    cp.wait()
    one = jnp.full((16,), 1, jnp.int32)

    @plsc.parallel_loop(0, _RPW, step=1, unroll=2)
    def scat_row(lr):
        lr_v = jnp.full((16,), lr, jnp.int32)
        for k in range(N // 16):
            labels = g_v[lr, pl.ds(k * 16, 16)]
            byte_shift = lax.shift_left(
                lax.shift_right_logical(labels, 7), 3)
            val = lax.shift_left(one, byte_shift)
            col_idx = lax.bitwise_and(labels, 127)
            plsc.addupdate_scatter(c_v, [lr_v, col_idx], val)

    pltpu.sync_copy(c_v, counts_hbm.at[pl.ds(base, _RPW)])


_hist = functools.partial(
    pl.kernel,
    mesh=plsc.VectorSubcoreMesh(core_axis_name="c", subcore_axis_name="s"),
    out_type=jax.ShapeDtypeStruct((_ROWS, 128), jnp.int32),
    scratch_types=[
        pltpu.VMEM((_RPW, N), jnp.int32),
        pltpu.VMEM((_RPW, 128), jnp.int32),
        pltpu.SemaphoreType.DMA,
    ],
    compiler_params=pltpu.CompilerParams(needs_layout_passes=False),
)(_hist_body)


def _tc_linear_body(f_ref, w0_ref, w1_ref, o_ref):
    f = f_ref[...]
    w = w0_ref[...] + w1_ref[...]
    o_ref[...] = (f + lax.dot_general(
        f, w, (((1,), (1,)), ((), ())), preferred_element_type=jnp.float32
    )).astype(jnp.bfloat16)


def _tc_bias_body(p_ref, bias_ref, c_ref, o_ref):
    o = p_ref[...].astype(jnp.float32)
    packed = c_ref[...]
    for q in range(_Q):
        cnt = lax.bitwise_and(
            lax.shift_right_logical(packed, 8 * q), 255
        ).astype(jnp.float32)
        o = o + jnp.dot(cnt, bias_ref[q], preferred_element_type=jnp.float32)
    o_ref[...] = o


def kernel(feature, graph, W0, W1, bias):
    g2 = graph.reshape(_ROWS, N).astype(jnp.int32)
    counts = _hist(g2)
    f2 = feature.reshape(_ROWS, D)
    bias4 = bias.reshape(_Q, 128, D)
    partial = pl.pallas_call(
        _tc_linear_body,
        out_shape=jax.ShapeDtypeStruct((_ROWS, D), jnp.bfloat16),
    )(f2, W0, W1)
    blk = _ROWS // 2
    out = pl.pallas_call(
        _tc_bias_body,
        grid=(2,),
        in_specs=[
            pl.BlockSpec((blk, D), lambda i: (i, 0)),
            pl.BlockSpec((_Q, 128, D), lambda i: (0, 0, 0)),
            pl.BlockSpec((blk, 128), lambda i: (i, 0)),
        ],
        out_specs=pl.BlockSpec((blk, D), lambda i: (i, 0)),
        out_shape=jax.ShapeDtypeStruct((_ROWS, D), jnp.float32),
    )(partial, bias4, counts)
    return out.reshape(B, N, D)

# --- scband reference (transcript-rebuilt; emitter-appended) ---
"""Pipeline reference for scband-directed-graph-conv-73358041415911 (READ-ONLY COPY).

The authoritative reference and input builder live on the scoring server;
editing this copy changes nothing except your own understanding.
"""

import jax, jax.numpy as jnp
import numpy as np

B, N, D, L = 16, 128, 256, 512

def setup_inputs(seed: int = 0) -> dict:
    key = jax.random.key(seed)
    k1, k2, k3, k4, k5 = jax.random.split(key, 5)
    feature = jax.random.normal(k1, (B, N, D), dtype=jnp.float32)
    graph = jax.random.randint(k2, (B, N, N), 0, L, dtype=jnp.int64)
    stdv = 1.0 / np.sqrt(D)
    # nn.Linear(in_dim, out_dim, bias=False).weight has shape [out_dim, in_dim]
    W0 = jax.random.uniform(k3, (D, D), dtype=jnp.float32, minval=-stdv, maxval=stdv)
    W1 = jax.random.uniform(k4, (D, D), dtype=jnp.float32, minval=-stdv, maxval=stdv)
    bias = jax.random.uniform(k5, (L, D), dtype=jnp.float32, minval=-stdv, maxval=stdv)
    return {"feature": feature, "graph": graph, "W0": W0, "W1": W1, "bias": bias}

def reference(feature, graph, W0, W1, bias):
    # adj computed in original code but unused downstream
    adj = (graph != 0).astype(jnp.float32)
    output = feature
    output = output + feature @ W0.T  # direction 0 linear
    output = output + feature @ W1.T  # direction 1 linear
    # bias[graph] -> [B, N, N, D]; sum over axis 2 (incoming labeled edges)
    label_bias = jnp.take(bias, graph, axis=0).sum(axis=2)
    return output + label_bias

if __name__ == "__main__":
    import jax
    _d = setup_inputs()
    print(jax.jit(kernel)(*tuple(_d.values())))

</pallas_src>

<mosaic_0001>
#map = affine_map<(d0, d1) -> (0, 0)>
module attributes {stable_mosaic.version = 14 : i64} {
  func.func @_hist_body(%arg0: i32, %arg1: i32, %arg2: memref<2048x128xi32, #tpu.memory_space<hbm>>, %arg3: memref<2048x128xi32, #tpu.memory_space<hbm>>, %arg4: memref<64x128xi32, #tpu.memory_space<vmem>>, %arg5: memref<64x128xi32, #tpu.memory_space<vmem>>, %arg6: memref<!tpu.dma_semaphore, #tpu.memory_space<semaphore_mem>>) attributes {dimension_semantics = [#tpu.dimension_semantics<core_parallel>, #tpu.dimension_semantics<subcore_parallel>], iteration_bounds = array<i64: 2, 16>, scalar_prefetch = 0 : i64, scratch_operands = 3 : i64, tpu.core_type = #tpu.core_type<sc_vector_subcore>, window_params = [{transform_indices = #map}, {transform_indices = #map}]} {
    %mul3A = arith.constant 2 : i32
    %mul3A_0 = arith.muli %arg1, %mul3A : i32
    %add3A = arith.addi %mul3A_0, %arg0 : i32
    %mul3A_1 = arith.constant 64 : i32
    %mul3A_2 = arith.muli %add3A, %mul3A_1 : i32
    %dma_start3A = arith.constant 0 : i32
    %dma_start3A_3 = tpu.memref_slice %arg2[%mul3A_2, %dma_start3A] : memref<2048x128xi32, #tpu.memory_space<hbm>> -> memref<64x128xi32, #tpu.memory_space<hbm>>
    %dma_start3A_4 = arith.constant 0 : i32
    %dma_start3A_5 = tpu.memref_slice %arg2[%mul3A_2, %dma_start3A_4] : memref<2048x128xi32, #tpu.memory_space<hbm>> -> memref<64x128xi32, #tpu.memory_space<hbm>>
    tpu.enqueue_dma source(%dma_start3A_5 : memref<64x128xi32, #tpu.memory_space<hbm>>) target(%arg4 : memref<64x128xi32, #tpu.memory_space<vmem>>) target_semaphore(%arg6 : memref<!tpu.dma_semaphore, #tpu.memory_space<semaphore_mem>>)
    %broadcast_in_dim3A = arith.constant 0 : i32
    %broadcast_in_dim3A_6 = vector.broadcast %broadcast_in_dim3A : i32 to vector<16xi32>
    %parallel_loop3A = arith.constant 0 : i32
    %parallel_loop3A_7 = arith.constant 64 : i32
    %parallel_loop3A_8 = arith.constant 2 : i32
    scf.for %parallel_loop3A_17 = %parallel_loop3A to %parallel_loop3A_7 step %parallel_loop3A_8  : i32 {
      %parallel_loop3A_18 = arith.constant 0 : i32
      %parallel_loop3A_19 = arith.addi %parallel_loop3A_17, %parallel_loop3A_18 : i32
      %parallel_loop3A_20 = arith.index_cast %parallel_loop3A_19 : i32 to index
      %parallel_loop3A_21 = arith.constant 0 : index
      %parallel_loop3A_22 = tpu.vector_load %arg5[%parallel_loop3A_20, %parallel_loop3A_21] {strides = array<i32>} : memref<64x128xi32, #tpu.memory_space<vmem>>, vector<16xi32>,
      tpu.vector_store %arg5[%parallel_loop3A_20, %parallel_loop3A_21], %broadcast_in_dim3A_6 {strides = array<i32>} : memref<64x128xi32, #tpu.memory_space<vmem>>, vector<16xi32>,
      %parallel_loop3A_23 = arith.constant 0 : i32
      %parallel_loop3A_24 = arith.addi %parallel_loop3A_17, %parallel_loop3A_23 : i32
      %parallel_loop3A_25 = arith.index_cast %parallel_loop3A_24 : i32 to index
      %parallel_loop3A_26 = arith.constant 16 : index
      %parallel_loop3A_27 = tpu.vector_load %arg5[%parallel_loop3A_25, %parallel_loop3A_26] {strides = array<i32>} : memref<64x128xi32, #tpu.memory_space<vmem>>, vector<16xi32>,
      tpu.vector_store %arg5[%parallel_loop3A_25, %parallel_loop3A_26], %broadcast_in_dim3A_6 {strides = array<i32>} : memref<64x128xi32, #tpu.memory_space<vmem>>, vector<16xi32>,
      %parallel_loop3A_28 = arith.constant 0 : i32
      %parallel_loop3A_29 = arith.addi %parallel_loop3A_17, %parallel_loop3A_28 : i32
      %parallel_loop3A_30 = arith.index_cast %parallel_loop3A_29 : i32 to index
      %parallel_loop3A_31 = arith.constant 32 : index
      %parallel_loop3A_32 = tpu.vector_load %arg5[%parallel_loop3A_30, %parallel_loop3A_31] {strides = array<i32>} : memref<64x128xi32, #tpu.memory_space<vmem>>, vector<16xi32>,
      tpu.vector_store %arg5[%parallel_loop3A_30, %parallel_loop3A_31], %broadcast_in_dim3A_6 {strides = array<i32>} : memref<64x128xi32, #tpu.memory_space<vmem>>, vector<16xi32>,
      %parallel_loop3A_33 = arith.constant 0 : i32
      %parallel_loop3A_34 = arith.addi %parallel_loop3A_17, %parallel_loop3A_33 : i32
      %parallel_loop3A_35 = arith.index_cast %parallel_loop3A_34 : i32 to index
      %parallel_loop3A_36 = arith.constant 48 : index
      %parallel_loop3A_37 = tpu.vector_load %arg5[%parallel_loop3A_35, %parallel_loop3A_36] {strides = array<i32>} : memref<64x128xi32, #tpu.memory_space<vmem>>, vector<16xi32>,
      tpu.vector_store %arg5[%parallel_loop3A_35, %parallel_loop3A_36], %broadcast_in_dim3A_6 {strides = array<i32>} : memref<64x128xi32, #tpu.memory_space<vmem>>, vector<16xi32>,
      %parallel_loop3A_38 = arith.constant 0 : i32
      %parallel_loop3A_39 = arith.addi %parallel_loop3A_17, %parallel_loop3A_38 : i32
      %parallel_loop3A_40 = arith.index_cast %parallel_loop3A_39 : i32 to index
      %parallel_loop3A_41 = arith.constant 64 : index
      %parallel_loop3A_42 = tpu.vector_load %arg5[%parallel_loop3A_40, %parallel_loop3A_41] {strides = array<i32>} : memref<64x128xi32, #tpu.memory_space<vmem>>, vector<16xi32>,
      tpu.vector_store %arg5[%parallel_loop3A_40, %parallel_loop3A_41], %broadcast_in_dim3A_6 {strides = array<i32>} : memref<64x128xi32, #tpu.memory_space<vmem>>, vector<16xi32>,
      %parallel_loop3A_43 = arith.constant 0 : i32
      %parallel_loop3A_44 = arith.addi %parallel_loop3A_17, %parallel_loop3A_43 : i32
      %parallel_loop3A_45 = arith.index_cast %parallel_loop3A_44 : i32 to index
      %parallel_loop3A_46 = arith.constant 80 : index
      %parallel_loop3A_47 = tpu.vector_load %arg5[%parallel_loop3A_45, %parallel_loop3A_46] {strides = array<i32>} : memref<64x128xi32, #tpu.memory_space<vmem>>, vector<16xi32>,
      tpu.vector_store %arg5[%parallel_loop3A_45, %parallel_loop3A_46], %broadcast_in_dim3A_6 {strides = array<i32>} : memref<64x128xi32, #tpu.memory_space<vmem>>, vector<16xi32>,
      %parallel_loop3A_48 = arith.constant 0 : i32
      %parallel_loop3A_49 = arith.addi %parallel_loop3A_17, %parallel_loop3A_48 : i32
      %parallel_loop3A_50 = arith.index_cast %parallel_loop3A_49 : i32 to index
      %parallel_loop3A_51 = arith.constant 96 : index
      %parallel_loop3A_52 = tpu.vector_load %arg5[%parallel_loop3A_50, %parallel_loop3A_51] {strides = array<i32>} : memref<64x128xi32, #tpu.memory_space<vmem>>, vector<16xi32>,
      tpu.vector_store %arg5[%parallel_loop3A_50, %parallel_loop3A_51], %broadcast_in_dim3A_6 {strides = array<i32>} : memref<64x128xi32, #tpu.memory_space<vmem>>, vector<16xi32>,
      %parallel_loop3A_53 = arith.constant 0 : i32
      %parallel_loop3A_54 = arith.addi %parallel_loop3A_17, %parallel_loop3A_53 : i32
      %parallel_loop3A_55 = arith.index_cast %parallel_loop3A_54 : i32 to index
      %parallel_loop3A_56 = arith.constant 112 : index
      %parallel_loop3A_57 = tpu.vector_load %arg5[%parallel_loop3A_55, %parallel_loop3A_56] {strides = array<i32>} : memref<64x128xi32, #tpu.memory_space<vmem>>, vector<16xi32>,
      tpu.vector_store %arg5[%parallel_loop3A_55, %parallel_loop3A_56], %broadcast_in_dim3A_6 {strides = array<i32>} : memref<64x128xi32, #tpu.memory_space<vmem>>, vector<16xi32>,
      %parallel_loop3A_58 = arith.constant 1 : i32
      %parallel_loop3A_59 = arith.addi %parallel_loop3A_17, %parallel_loop3A_58 : i32
      %parallel_loop3A_60 = arith.index_cast %parallel_loop3A_59 : i32 to index
      %parallel_loop3A_61 = arith.constant 0 : index
      %parallel_loop3A_62 = tpu.vector_load %arg5[%parallel_loop3A_60, %parallel_loop3A_61] {strides = array<i32>} : memref<64x128xi32, #tpu.memory_space<vmem>>, vector<16xi32>,
      tpu.vector_store %arg5[%parallel_loop3A_60, %parallel_loop3A_61], %broadcast_in_dim3A_6 {strides = array<i32>} : memref<64x128xi32, #tpu.memory_space<vmem>>, vector<16xi32>,
      %parallel_loop3A_63 = arith.constant 1 : i32
      %parallel_loop3A_64 = arith.addi %parallel_loop3A_17, %parallel_loop3A_63 : i32
      %parallel_loop3A_65 = arith.index_cast %parallel_loop3A_64 : i32 to index
      %parallel_loop3A_66 = arith.constant 16 : index
      %parallel_loop3A_67 = tpu.vector_load %arg5[%parallel_loop3A_65, %parallel_loop3A_66] {strides = array<i32>} : memref<64x128xi32, #tpu.memory_space<vmem>>, vector<16xi32>,
      tpu.vector_store %arg5[%parallel_loop3A_65, %parallel_loop3A_66], %broadcast_in_dim3A_6 {strides = array<i32>} : memref<64x128xi32, #tpu.memory_space<vmem>>, vector<16xi32>,
      %parallel_loop3A_68 = arith.constant 1 : i32
      %parallel_loop3A_69 = arith.addi %parallel_loop3A_17, %parallel_loop3A_68 : i32
      %parallel_loop3A_70 = arith.index_cast %parallel_loop3A_69 : i32 to index
      %parallel_loop3A_71 = arith.constant 32 : index
      %parallel_loop3A_72 = tpu.vector_load %arg5[%parallel_loop3A_70, %parallel_loop3A_71] {strides = array<i32>} : memref<64x128xi32, #tpu.memory_space<vmem>>, vector<16xi32>,
      tpu.vector_store %arg5[%parallel_loop3A_70, %parallel_loop3A_71], %broadcast_in_dim3A_6 {strides = array<i32>} : memref<64x128xi32, #tpu.memory_space<vmem>>, vector<16xi32>,
      %parallel_loop3A_73 = arith.constant 1 : i32
      %parallel_loop3A_74 = arith.addi %parallel_loop3A_17, %parallel_loop3A_73 : i32
      %parallel_loop3A_75 = arith.index_cast %parallel_loop3A_74 : i32 to index
      %parallel_loop3A_76 = arith.constant 48 : index
      %parallel_loop3A_77 = tpu.vector_load %arg5[%parallel_loop3A_75, %parallel_loop3A_76] {strides = array<i32>} : memref<64x128xi32, #tpu.memory_space<vmem>>, vector<16xi32>,
      tpu.vector_store %arg5[%parallel_loop3A_75, %parallel_loop3A_76], %broadcast_in_dim3A_6 {strides = array<i32>} : memref<64x128xi32, #tpu.memory_space<vmem>>, vector<16xi32>,
      %parallel_loop3A_78 = arith.constant 1 : i32
      %parallel_loop3A_79 = arith.addi %parallel_loop3A_17, %parallel_loop3A_78 : i32
      %parallel_loop3A_80 = arith.index_cast %parallel_loop3A_79 : i32 to index
      %parallel_loop3A_81 = arith.constant 64 : index
      %parallel_loop3A_82 = tpu.vector_load %arg5[%parallel_loop3A_80, %parallel_loop3A_81] {strides = array<i32>} : memref<64x128xi32, #tpu.memory_space<vmem>>, vector<16xi32>,
      tpu.vector_store %arg5[%parallel_loop3A_80, %parallel_loop3A_81], %broadcast_in_dim3A_6 {strides = array<i32>} : memref<64x128xi32, #tpu.memory_space<vmem>>, vector<16xi32>,
      %parallel_loop3A_83 = arith.constant 1 : i32
      %parallel_loop3A_84 = arith.addi %parallel_loop3A_17, %parallel_loop3A_83 : i32
      %parallel_loop3A_85 = arith.index_cast %parallel_loop3A_84 : i32 to index
      %parallel_loop3A_86 = arith.constant 80 : index
      %parallel_loop3A_87 = tpu.vector_load %arg5[%parallel_loop3A_85, %parallel_loop3A_86] {strides = array<i32>} : memref<64x128xi32, #tpu.memory_space<vmem>>, vector<16xi32>,
      tpu.vector_store %arg5[%parallel_loop3A_85, %parallel_loop3A_86], %broadcast_in_dim3A_6 {strides = array<i32>} : memref<64x128xi32, #tpu.memory_space<vmem>>, vector<16xi32>,
      %parallel_loop3A_88 = arith.constant 1 : i32
      %parallel_loop3A_89 = arith.addi %parallel_loop3A_17, %parallel_loop3A_88 : i32
      %parallel_loop3A_90 = arith.index_cast %parallel_loop3A_89 : i32 to index
      %parallel_loop3A_91 = arith.constant 96 : index
      %parallel_loop3A_92 = tpu.vector_load %arg5[%parallel_loop3A_90, %parallel_loop3A_91] {strides = array<i32>} : memref<64x128xi32, #tpu.memory_space<vmem>>, vector<16xi32>,
      tpu.vector_store %arg5[%parallel_loop3A_90, %parallel_loop3A_91], %broadcast_in_dim3A_6 {strides = array<i32>} : memref<64x128xi32, #tpu.memory_space<vmem>>, vector<16xi32>,
      %parallel_loop3A_93 = arith.constant 1 : i32
      %parallel_loop3A_94 = arith.addi %parallel_loop3A_17, %parallel_loop3A_93 : i32
      %parallel_loop3A_95 = arith.index_cast %parallel_loop3A_94 : i32 to index
      %parallel_loop3A_96 = arith.constant 112 : index
      %parallel_loop3A_97 = tpu.vector_load %arg5[%parallel_loop3A_95, %parallel_loop3A_96] {strides = array<i32>} : memref<64x128xi32, #tpu.memory_space<vmem>>, vector<16xi32>,
      tpu.vector_store %arg5[%parallel_loop3A_95, %parallel_loop3A_96], %broadcast_in_dim3A_6 {strides = array<i32>} : memref<64x128xi32, #tpu.memory_space<vmem>>, vector<16xi32>,
    } {sc.loop_unroll_factor = 4 : i64, sc.parallel_access}
    %dma_wait3A = arith.constant 0 : i32
    %dma_wait3A_9 = tpu.memref_slice %arg2[%mul3A_2, %dma_wait3A] : memref<2048x128xi32, #tpu.memory_space<hbm>> -> memref<64x128xi32, #tpu.memory_space<hbm>>
    %dma_wait3A_10 = arith.constant 0 : i32
    %dma_wait3A_11 = tpu.memref_slice %arg2[%mul3A_2, %dma_wait3A_10] : memref<2048x128xi32, #tpu.memory_space<hbm>> -> memref<64x128xi32, #tpu.memory_space<hbm>>
    tpu.wait_dma2 semaphore(%arg6 : memref<!tpu.dma_semaphore, #tpu.memory_space<semaphore_mem>>) src(%dma_wait3A_11 : memref<64x128xi32, #tpu.memory_space<hbm>>) dst(%arg4 : memref<64x128xi32, #tpu.memory_space<vmem>>)
    %broadcast_in_dim3A_12 = arith.constant 1 : i32
    %broadcast_in_dim3A_13 = vector.broadcast %broadcast_in_dim3A_12 : i32 to vector<16xi32>
    %parallel_loop3A_14 = arith.constant 0 : i32
    %parallel_loop3A_15 = arith.constant 64 : i32
    %parallel_loop3A_16 = arith.constant 1 : i32
    scf.for %parallel_loop3A_17 = %parallel_loop3A_14 to %parallel_loop3A_15 step %parallel_loop3A_16  : i32 {
      %parallel_loop3A_18 = vector.broadcast %parallel_loop3A_17 : i32 to vector<16xi32>
      %parallel_loop3A_19 = arith.index_cast %parallel_loop3A_17 : i32 to index
      %parallel_loop3A_20 = arith.constant 0 : index
      %parallel_loop3A_21 = tpu.vector_load %arg4[%parallel_loop3A_19, %parallel_loop3A_20] {strides = array<i32>} : memref<64x128xi32, #tpu.memory_space<vmem>>, vector<16xi32>,
      %parallel_loop3A_22 = arith.constant 7 : i32
      %parallel_loop3A_23 = vector.broadcast %parallel_loop3A_22 : i32 to vector<16xi32>
      %parallel_loop3A_24 = arith.shrui %parallel_loop3A_21, %parallel_loop3A_23 : vector<16xi32>
      %parallel_loop3A_25 = arith.constant 3 : i32
      %parallel_loop3A_26 = vector.broadcast %parallel_loop3A_25 : i32 to vector<16xi32>
      %parallel_loop3A_27 = arith.shli %parallel_loop3A_24, %parallel_loop3A_26 : vector<16xi32>
      %parallel_loop3A_28 = arith.shli %broadcast_in_dim3A_13, %parallel_loop3A_27 : vector<16xi32>
      %parallel_loop3A_29 = arith.constant 127 : i32
      %parallel_loop3A_30 = vector.broadcast %parallel_loop3A_29 : i32 to vector<16xi32>
      %parallel_loop3A_31 = arith.andi %parallel_loop3A_21, %parallel_loop3A_30 : vector<16xi32>
      tpu.vector_store_idx %arg5[%parallel_loop3A_18, %parallel_loop3A_31], %parallel_loop3A_28 {add = true} : memref<64x128xi32, #tpu.memory_space<vmem>>[vector<16xi32>, vector<16xi32>], vector<16xi32>,
      %parallel_loop3A_32 = arith.index_cast %parallel_loop3A_17 : i32 to index
      %parallel_loop3A_33 = arith.constant 16 : index
      %parallel_loop3A_34 = tpu.vector_load %arg4[%parallel_loop3A_32, %parallel_loop3A_33] {strides = array<i32>} : memref<64x128xi32, #tpu.memory_space<vmem>>, vector<16xi32>,
      %parallel_loop3A_35 = arith.constant 7 : i32
      %parallel_loop3A_36 = vector.broadcast %parallel_loop3A_35 : i32 to vector<16xi32>
      %parallel_loop3A_37 = arith.shrui %parallel_loop3A_34, %parallel_loop3A_36 : vector<16xi32>
      %parallel_loop3A_38 = arith.constant 3 : i32
      %parallel_loop3A_39 = vector.broadcast %parallel_loop3A_38 : i32 to vector<16xi32>
      %parallel_loop3A_40 = arith.shli %parallel_loop3A_37, %parallel_loop3A_39 : vector<16xi32>
      %parallel_loop3A_41 = arith.shli %broadcast_in_dim3A_13, %parallel_loop3A_40 : vector<16xi32>
      %parallel_loop3A_42 = arith.constant 127 : i32
      %parallel_loop3A_43 = vector.broadcast %parallel_loop3A_42 : i32 to vector<16xi32>
      %parallel_loop3A_44 = arith.andi %parallel_loop3A_34, %parallel_loop3A_43 : vector<16xi32>
      tpu.vector_store_idx %arg5[%parallel_loop3A_18, %parallel_loop3A_44], %parallel_loop3A_41 {add = true} : memref<64x128xi32, #tpu.memory_space<vmem>>[vector<16xi32>, vector<16xi32>], vector<16xi32>,
      %parallel_loop3A_45 = arith.index_cast %parallel_loop3A_17 : i32 to index
      %parallel_loop3A_46 = arith.constant 32 : index
      %parallel_loop3A_47 = tpu.vector_load %arg4[%parallel_loop3A_45, %parallel_loop3A_46] {strides = array<i32>} : memref<64x128xi32, #tpu.memory_space<vmem>>, vector<16xi32>,
      %parallel_loop3A_48 = arith.constant 7 : i32
      %parallel_loop3A_49 = vector.broadcast %parallel_loop3A_48 : i32 to vector<16xi32>
      %parallel_loop3A_50 = arith.shrui %parallel_loop3A_47, %parallel_loop3A_49 : vector<16xi32>
      %parallel_loop3A_51 = arith.constant 3 : i32
      %parallel_loop3A_52 = vector.broadcast %parallel_loop3A_51 : i32 to vector<16xi32>
      %parallel_loop3A_53 = arith.shli %parallel_loop3A_50, %parallel_loop3A_52 : vector<16xi32>
      %parallel_loop3A_54 = arith.shli %broadcast_in_dim3A_13, %parallel_loop3A_53 : vector<16xi32>
      %parallel_loop3A_55 = arith.constant 127 : i32
      %parallel_loop3A_56 = vector.broadcast %parallel_loop3A_55 : i32 to vector<16xi32>
      %parallel_loop3A_57 = arith.andi %parallel_loop3A_47, %parallel_loop3A_56 : vector<16xi32>
      tpu.vector_store_idx %arg5[%parallel_loop3A_18, %parallel_loop3A_57], %parallel_loop3A_54 {add = true} : memref<64x128xi32, #tpu.memory_space<vmem>>[vector<16xi32>, vector<16xi32>], vector<16xi32>,
      %parallel_loop3A_58 = arith.index_cast %parallel_loop3A_17 : i32 to index
      %parallel_loop3A_59 = arith.constant 48 : index
      %parallel_loop3A_60 = tpu.vector_load %arg4[%parallel_loop3A_58, %parallel_loop3A_59] {strides = array<i32>} : memref<64x128xi32, #tpu.memory_space<vmem>>, vector<16xi32>,
      %parallel_loop3A_61 = arith.constant 7 : i32
      %parallel_loop3A_62 = vector.broadcast %parallel_loop3A_61 : i32 to vector<16xi32>
      %parallel_loop3A_63 = arith.shrui %parallel_loop3A_60, %parallel_loop3A_62 : vector<16xi32>
      %parallel_loop3A_64 = arith.constant 3 : i32
      %parallel_loop3A_65 = vector.broadcast %parallel_loop3A_64 : i32 to vector<16xi32>
      %parallel_loop3A_66 = arith.shli %parallel_loop3A_63, %parallel_loop3A_65 : vector<16xi32>
      %parallel_loop3A_67 = arith.shli %broadcast_in_dim3A_13, %parallel_loop3A_66 : vector<16xi32>
      %parallel_loop3A_68 = arith.constant 127 : i32
      %parallel_loop3A_69 = vector.broadcast %parallel_loop3A_68 : i32 to vector<16xi32>
      %parallel_loop3A_70 = arith.andi %parallel_loop3A_60, %parallel_loop3A_69 : vector<16xi32>
      tpu.vector_store_idx %arg5[%parallel_loop3A_18, %parallel_loop3A_70], %parallel_loop3A_67 {add = true} : memref<64x128xi32, #tpu.memory_space<vmem>>[vector<16xi32>, vector<16xi32>], vector<16xi32>,
      %parallel_loop3A_71 = arith.index_cast %parallel_loop3A_17 : i32 to index
      %parallel_loop3A_72 = arith.constant 64 : index
      %parallel_loop3A_73 = tpu.vector_load %arg4[%parallel_loop3A_71, %parallel_loop3A_72] {strides = array<i32>} : memref<64x128xi32, #tpu.memory_space<vmem>>, vector<16xi32>,
      %parallel_loop3A_74 = arith.constant 7 : i32
      %parallel_loop3A_75 = vector.broadcast %parallel_loop3A_74 : i32 to vector<16xi32>
      %parallel_loop3A_76 = arith.shrui %parallel_loop3A_73, %parallel_loop3A_75 : vector<16xi32>
      %parallel_loop3A_77 = arith.constant 3 : i32
      %parallel_loop3A_78 = vector.broadcast %parallel_loop3A_77 : i32 to vector<16xi32>
      %parallel_loop3A_79 = arith.shli %parallel_loop3A_76, %parallel_loop3A_78 : vector<16xi32>
      %parallel_loop3A_80 = arith.shli %broadcast_in_dim3A_13, %parallel_loop3A_79 : vector<16xi32>
      %parallel_loop3A_81 = arith.constant 127 : i32
      %parallel_loop3A_82 = vector.broadcast %parallel_loop3A_81 : i32 to vector<16xi32>
      %parallel_loop3A_83 = arith.andi %parallel_loop3A_73, %parallel_loop3A_82 : vector<16xi32>
      tpu.vector_store_idx %arg5[%parallel_loop3A_18, %parallel_loop3A_83], %parallel_loop3A_80 {add = true} : memref<64x128xi32, #tpu.memory_space<vmem>>[vector<16xi32>, vector<16xi32>], vector<16xi32>,
      %parallel_loop3A_84 = arith.index_cast %parallel_loop3A_17 : i32 to index
      %parallel_loop3A_85 = arith.constant 80 : index
      %parallel_loop3A_86 = tpu.vector_load %arg4[%parallel_loop3A_84, %parallel_loop3A_85] {strides = array<i32>} : memref<64x128xi32, #tpu.memory_space<vmem>>, vector<16xi32>,
      %parallel_loop3A_87 = arith.constant 7 : i32
      %parallel_loop3A_88 = vector.broadcast %parallel_loop3A_87 : i32 to vector<16xi32>
      %parallel_loop3A_89 = arith.shrui %parallel_loop3A_86, %parallel_loop3A_88 : vector<16xi32>
      %parallel_loop3A_90 = arith.constant 3 : i32
      %parallel_loop3A_91 = vector.broadcast %parallel_loop3A_90 : i32 to vector<16xi32>
      %parallel_loop3A_92 = arith.shli %parallel_loop3A_89, %parallel_loop3A_91 : vector<16xi32>
      %parallel_loop3A_93 = arith.shli %broadcast_in_dim3A_13, %parallel_loop3A_92 : vector<16xi32>
      %parallel_loop3A_94 = arith.constant 127 : i32
      %parallel_loop3A_95 = vector.broadcast %parallel_loop3A_94 : i32 to vector<16xi32>
      %parallel_loop3A_96 = arith.andi %parallel_loop3A_86, %parallel_loop3A_95 : vector<16xi32>
      tpu.vector_store_idx %arg5[%parallel_loop3A_18, %parallel_loop3A_96], %parallel_loop3A_93 {add = true} : memref<64x128xi32, #tpu.memory_space<vmem>>[vector<16xi32>, vector<16xi32>], vector<16xi32>,
      %parallel_loop3A_97 = arith.index_cast %parallel_loop3A_17 : i32 to index
      %parallel_loop3A_98 = arith.constant 96 : index
      %parallel_loop3A_99 = tpu.vector_load %arg4[%parallel_loop3A_97, %parallel_loop3A_98] {strides = array<i32>} : memref<64x128xi32, #tpu.memory_space<vmem>>, vector<16xi32>,
      %parallel_loop3A_100 = arith.constant 7 : i32
      %parallel_loop3A_101 = vector.broadcast %parallel_loop3A_100 : i32 to vector<16xi32>
      %parallel_loop3A_102 = arith.shrui %parallel_loop3A_99, %parallel_loop3A_101 : vector<16xi32>
      %parallel_loop3A_103 = arith.constant 3 : i32
      %parallel_loop3A_104 = vector.broadcast %parallel_loop3A_103 : i32 to vector<16xi32>
      %parallel_loop3A_105 = arith.shli %parallel_loop3A_102, %parallel_loop3A_104 : vector<16xi32>
      %parallel_loop3A_106 = arith.shli %broadcast_in_dim3A_13, %parallel_loop3A_105 : vector<16xi32>
      %parallel_loop3A_107 = arith.constant 127 : i32
      %parallel_loop3A_108 = vector.broadcast %parallel_loop3A_107 : i32 to vector<16xi32>
      %parallel_loop3A_109 = arith.andi %parallel_loop3A_99, %parallel_loop3A_108 : vector<16xi32>
      tpu.vector_store_idx %arg5[%parallel_loop3A_18, %parallel_loop3A_109], %parallel_loop3A_106 {add = true} : memref<64x128xi32, #tpu.memory_space<vmem>>[vector<16xi32>, vector<16xi32>], vector<16xi32>,
      %parallel_loop3A_110 = arith.index_cast %parallel_loop3A_17 : i32 to index
      %parallel_loop3A_111 = arith.constant 112 : index
      %parallel_loop3A_112 = tpu.vector_load %arg4[%parallel_loop3A_110, %parallel_loop3A_111] {strides = array<i32>} : memref<64x128xi32, #tpu.memory_space<vmem>>, vector<16xi32>,
      %parallel_loop3A_113 = arith.constant 7 : i32
      %parallel_loop3A_114 = vector.broadcast %parallel_loop3A_113 : i32 to vector<16xi32>
      %parallel_loop3A_115 = arith.shrui %parallel_loop3A_112, %parallel_loop3A_114 : vector<16xi32>
      %parallel_loop3A_116 = arith.constant 3 : i32
      %parallel_loop3A_117 = vector.broadcast %parallel_loop3A_116 : i32 to vector<16xi32>
      %parallel_loop3A_118 = arith.shli %parallel_loop3A_115, %parallel_loop3A_117 : vector<16xi32>
      %parallel_loop3A_119 = arith.shli %broadcast_in_dim3A_13, %parallel_loop3A_118 : vector<16xi32>
      %parallel_loop3A_120 = arith.constant 127 : i32
      %parallel_loop3A_121 = vector.broadcast %parallel_loop3A_120 : i32 to vector<16xi32>
      %parallel_loop3A_122 = arith.andi %parallel_loop3A_112, %parallel_loop3A_121 : vector<16xi32>
      tpu.vector_store_idx %arg5[%parallel_loop3A_18, %parallel_loop3A_122], %parallel_loop3A_119 {add = true} : memref<64x128xi32, #tpu.memory_space<vmem>>[vector<16xi32>, vector<16xi32>], vector<16xi32>,
    } {sc.loop_unroll_factor = 2 : i64, sc.parallel_access}
    "tpu.region"() ({
      %run_scoped3A = tpu.sem_alloc : memref<!tpu.dma_semaphore, #tpu.memory_space<semaphore_mem>>
      %dma_start3A_17 = arith.constant 0 : i32
      %dma_start3A_18 = tpu.memref_slice %arg3[%mul3A_2, %dma_start3A_17] : memref<2048x128xi32, #tpu.memory_space<hbm>> -> memref<64x128xi32, #tpu.memory_space<hbm>>
      %dma_start3A_19 = arith.constant 0 : i32
      %dma_start3A_20 = tpu.memref_slice %arg3[%mul3A_2, %dma_start3A_19] : memref<2048x128xi32, #tpu.memory_space<hbm>> -> memref<64x128xi32, #tpu.memory_space<hbm>>
      tpu.enqueue_dma source(%arg5 : memref<64x128xi32, #tpu.memory_space<vmem>>) target(%dma_start3A_20 : memref<64x128xi32, #tpu.memory_space<hbm>>) target_semaphore(%run_scoped3A : memref<!tpu.dma_semaphore, #tpu.memory_space<semaphore_mem>>)
      %dma_wait3A_21 = arith.constant 0 : i32
      %dma_wait3A_22 = tpu.memref_slice %arg3[%mul3A_2, %dma_wait3A_21] : memref<2048x128xi32, #tpu.memory_space<hbm>> -> memref<64x128xi32, #tpu.memory_space<hbm>>
      %dma_wait3A_23 = arith.constant 0 : i32
      %dma_wait3A_24 = tpu.memref_slice %arg3[%mul3A_2, %dma_wait3A_23] : memref<2048x128xi32, #tpu.memory_space<hbm>> -> memref<64x128xi32, #tpu.memory_space<hbm>>
      tpu.wait_dma2 semaphore(%run_scoped3A : memref<!tpu.dma_semaphore, #tpu.memory_space<semaphore_mem>>) src(%arg5 : memref<64x128xi32, #tpu.memory_space<vmem>>) dst(%dma_wait3A_24 : memref<64x128xi32, #tpu.memory_space<hbm>>)
      tpu.yield
    }) : () -> ()
    return
  }
}

module attributes {stable_mosaic.version = 14 : i64} {
  func.func @_tc_bias_body(%arg0: i32, %arg1: memref<1024x256xbf16, #tpu.memory_space<vmem>>, %arg2: memref<4x128x256xf32, #tpu.memory_space<vmem>>, %arg3: memref<1024x128xi32, #tpu.memory_space<vmem>>, %arg4: memref<1024x256xf32, #tpu.memory_space<vmem>>) attributes {dimension_semantics = [#tpu.dimension_semantics<arbitrary>], iteration_bounds = array<i64: 2>, scalar_prefetch = 0 : i64, scratch_operands = 0 : i64, tpu.core_type = #tpu.core_type<tc>, window_params = [{transform_indices = @transform_0, window_bounds = array<i64: 1024, 256>}, {pipeline_mode = #tpu.pipeline_mode<synchronous>, transform_indices = @transform_1, window_bounds = array<i64: 4, 128, 256>}, {transform_indices = @transform_2, window_bounds = array<i64: 1024, 128>}, {transform_indices = @transform_3, window_bounds = array<i64: 1024, 256>}]} {
    %get3A = arith.constant 0 : index
    %get3A_0 = arith.constant 0 : index
    %get3A_1 = vector.load %arg1[%get3A, %get3A_0] : memref<1024x256xbf16, #tpu.memory_space<vmem>>, vector<1024x256xbf16>
    %convert_element_type3A = arith.extf %get3A_1 : vector<1024x256xbf16> to vector<1024x256xf32>
    %get3A_2 = arith.constant 0 : index
    %get3A_3 = arith.constant 0 : index
    %get3A_4 = vector.load %arg3[%get3A_2, %get3A_3] : memref<1024x128xi32, #tpu.memory_space<vmem>>, vector<1024x128xi32>
    %shift_right_logical3A = arith.constant 0 : i32
    %shift_right_logical3A_5 = vector.broadcast %shift_right_logical3A : i32 to vector<1024x128xi32>
    %shift_right_logical3A_6 = arith.shrui %get3A_4, %shift_right_logical3A_5 : vector<1024x128xi32>
    %and3A = arith.constant 255 : i32
    %and3A_7 = vector.broadcast %and3A : i32 to vector<1024x128xi32>
    %and3A_8 = arith.andi %shift_right_logical3A_6, %and3A_7 : vector<1024x128xi32>
    %convert_element_type3A_9 = arith.sitofp %and3A_8 : vector<1024x128xi32> to vector<1024x128xf32>
    %get3A_10 = arith.constant 0 : index
    %get3A_11 = arith.constant 0 : index
    %get3A_12 = arith.constant 0 : index
    %get3A_13 = vector.load %arg2[%get3A_10, %get3A_11, %get3A_12] : memref<4x128x256xf32, #tpu.memory_space<vmem>>, vector<1x128x256xf32>
    %get3A_14 = vector.shape_cast %get3A_13 : vector<1x128x256xf32> to vector<128x256xf32>
    %dot_general3A = arith.constant dense<0.000000e+00> : vector<1024x256xf32>
    %dot_general3A_15 = tpu.matmul %convert_element_type3A_9, %get3A_14, %dot_general3A {dimension_numbers = #tpu.dot_dimension_numbers<[1], [0], [0], [1], [0, 0, 1, 1], [], []>, transpose_lhs_hint = false} : vector<1024x128xf32>, vector<128x256xf32>, vector<1024x256xf32> -> vector<1024x256xf32>
    %add3A = arith.addf %convert_element_type3A, %dot_general3A_15 : vector<1024x256xf32>
    %shift_right_logical3A_16 = arith.constant 8 : i32
    %shift_right_logical3A_17 = vector.broadcast %shift_right_logical3A_16 : i32 to vector<1024x128xi32>
    %shift_right_logical3A_18 = arith.shrui %get3A_4, %shift_right_logical3A_17 : vector<1024x128xi32>
    %and3A_19 = arith.constant 255 : i32
    %and3A_20 = vector.broadcast %and3A_19 : i32 to vector<1024x128xi32>
    %and3A_21 = arith.andi %shift_right_logical3A_18, %and3A_20 : vector<1024x128xi32>
    %convert_element_type3A_22 = arith.sitofp %and3A_21 : vector<1024x128xi32> to vector<1024x128xf32>
    %get3A_23 = arith.constant 1 : index
    %get3A_24 = arith.constant 0 : index
    %get3A_25 = arith.constant 0 : index
    %get3A_26 = vector.load %arg2[%get3A_23, %get3A_24, %get3A_25] : memref<4x128x256xf32, #tpu.memory_space<vmem>>, vector<1x128x256xf32>
    %get3A_27 = vector.shape_cast %get3A_26 : vector<1x128x256xf32> to vector<128x256xf32>
    %dot_general3A_28 = arith.constant dense<0.000000e+00> : vector<1024x256xf32>
    %dot_general3A_29 = tpu.matmul %convert_element_type3A_22, %get3A_27, %dot_general3A_28 {dimension_numbers = #tpu.dot_dimension_numbers<[1], [0], [0], [1], [0, 0, 1, 1], [], []>, transpose_lhs_hint = false} : vector<1024x128xf32>, vector<128x256xf32>, vector<1024x256xf32> -> vector<1024x256xf32>
    %add3A_30 = arith.addf %add3A, %dot_general3A_29 : vector<1024x256xf32>
    %shift_right_logical3A_31 = arith.constant 16 : i32
    %shift_right_logical3A_32 = vector.broadcast %shift_right_logical3A_31 : i32 to vector<1024x128xi32>
    %shift_right_logical3A_33 = arith.shrui %get3A_4, %shift_right_logical3A_32 : vector<1024x128xi32>
    %and3A_34 = arith.constant 255 : i32
    %and3A_35 = vector.broadcast %and3A_34 : i32 to vector<1024x128xi32>
    %and3A_36 = arith.andi %shift_right_logical3A_33, %and3A_35 : vector<1024x128xi32>
    %convert_element_type3A_37 = arith.sitofp %and3A_36 : vector<1024x128xi32> to vector<1024x128xf32>
    %get3A_38 = arith.constant 2 : index
    %get3A_39 = arith.constant 0 : index
    %get3A_40 = arith.constant 0 : index
    %get3A_41 = vector.load %arg2[%get3A_38, %get3A_39, %get3A_40] : memref<4x128x256xf32, #tpu.memory_space<vmem>>, vector<1x128x256xf32>
    %get3A_42 = vector.shape_cast %get3A_41 : vector<1x128x256xf32> to vector<128x256xf32>
    %dot_general3A_43 = arith.constant dense<0.000000e+00> : vector<1024x256xf32>
    %dot_general3A_44 = tpu.matmul %convert_element_type3A_37, %get3A_42, %dot_general3A_43 {dimension_numbers = #tpu.dot_dimension_numbers<[1], [0], [0], [1], [0, 0, 1, 1], [], []>, transpose_lhs_hint = false} : vector<1024x128xf32>, vector<128x256xf32>, vector<1024x256xf32> -> vector<1024x256xf32>
    %add3A_45 = arith.addf %add3A_30, %dot_general3A_44 : vector<1024x256xf32>
    %shift_right_logical3A_46 = arith.constant 24 : i32
    %shift_right_logical3A_47 = vector.broadcast %shift_right_logical3A_46 : i32 to vector<1024x128xi32>
    %shift_right_logical3A_48 = arith.shrui %get3A_4, %shift_right_logical3A_47 : vector<1024x128xi32>
    %and3A_49 = arith.constant 255 : i32
    %and3A_50 = vector.broadcast %and3A_49 : i32 to vector<1024x128xi32>
    %and3A_51 = arith.andi %shift_right_logical3A_48, %and3A_50 : vector<1024x128xi32>
    %convert_element_type3A_52 = arith.sitofp %and3A_51 : vector<1024x128xi32> to vector<1024x128xf32>
    %get3A_53 = arith.constant 3 : index
    %get3A_54 = arith.constant 0 : index
    %get3A_55 = arith.constant 0 : index
    %get3A_56 = vector.load %arg2[%get3A_53, %get3A_54, %get3A_55] : memref<4x128x256xf32, #tpu.memory_space<vmem>>, vector<1x128x256xf32>
    %get3A_57 = vector.shape_cast %get3A_56 : vector<1x128x256xf32> to vector<128x256xf32>
    %dot_general3A_58 = arith.constant dense<0.000000e+00> : vector<1024x256xf32>
    %dot_general3A_59 = tpu.matmul %convert_element_type3A_52, %get3A_57, %dot_general3A_58 {dimension_numbers = #tpu.dot_dimension_numbers<[1], [0], [0], [1], [0, 0, 1, 1], [], []>, transpose_lhs_hint = false} : vector<1024x128xf32>, vector<128x256xf32>, vector<1024x256xf32> -> vector<1024x256xf32>
    %add3A_60 = arith.addf %add3A_45, %dot_general3A_59 : vector<1024x256xf32>
    %swap3A = arith.constant 0 : index
    %swap3A_61 = arith.constant 0 : index
    %swap3A_62 = vector.load %arg4[%swap3A, %swap3A_61] : memref<1024x256xf32, #tpu.memory_space<vmem>>, vector<1024x256xf32>
    tpu.vector_store %arg4[%swap3A, %swap3A_61], %add3A_60 {strides = array<i32>} : memref<1024x256xf32, #tpu.memory_space<vmem>>, vector<1024x256xf32>,
    return
  }
  func.func @transform_0(%arg0: i32) -> (i32, i32) {
    %c0_i32 = arith.constant 0 : i32
    %c0_i32_0 = arith.constant 0 : i32
    return %arg0, %c0_i32 : i32, i32
  }
  func.func @transform_1(%arg0: i32) -> (i32, i32, i32) {
    %c0_i32 = arith.constant 0 : i32
    %c0_i32_0 = arith.constant 0 : i32
    %c0_i32_1 = arith.constant 0 : i32
    %c0_i32_2 = arith.constant 0 : i32
    return %c0_i32, %c0_i32_0, %c0_i32_1 : i32, i32, i32
  }
  func.func @transform_2(%arg0: i32) -> (i32, i32) {
    %c0_i32 = arith.constant 0 : i32
    %c0_i32_0 = arith.constant 0 : i32
    return %arg0, %c0_i32 : i32, i32
  }
  func.func @transform_3(%arg0: i32) -> (i32, i32) {
    %c0_i32 = arith.constant 0 : i32
    %c0_i32_0 = arith.constant 0 : i32
    return %arg0, %c0_i32 : i32, i32
  }
}

module attributes {stable_mosaic.version = 14 : i64} {
  func.func @_tc_linear_body(%arg0: memref<2048x256xf32, #tpu.memory_space<vmem>>, %arg1: memref<256x256xf32, #tpu.memory_space<vmem>>, %arg2: memref<256x256xf32, #tpu.memory_space<vmem>>, %arg3: memref<2048x256xbf16, #tpu.memory_space<vmem>>) attributes {dimension_semantics = [], scalar_prefetch = 0 : i64, scratch_operands = 0 : i64, tpu.core_type = #tpu.core_type<tc>} {
    %get3A = arith.constant 0 : index
    %get3A_0 = arith.constant 0 : index
    %get3A_1 = vector.load %arg0[%get3A, %get3A_0] : memref<2048x256xf32, #tpu.memory_space<vmem>>, vector<2048x256xf32>
    %get3A_2 = arith.constant 0 : index
    %get3A_3 = arith.constant 0 : index
    %get3A_4 = vector.load %arg1[%get3A_2, %get3A_3] : memref<256x256xf32, #tpu.memory_space<vmem>>, vector<256x256xf32>
    %get3A_5 = arith.constant 0 : index
    %get3A_6 = arith.constant 0 : index
    %get3A_7 = vector.load %arg2[%get3A_5, %get3A_6] : memref<256x256xf32, #tpu.memory_space<vmem>>, vector<256x256xf32>
    %add3A = arith.addf %get3A_4, %get3A_7 : vector<256x256xf32>
    %dot_general3A = arith.constant dense<0.000000e+00> : vector<2048x256xf32>
    %dot_general3A_8 = tpu.matmul %get3A_1, %add3A, %dot_general3A {dimension_numbers = #tpu.dot_dimension_numbers<[1], [1], [0], [0], [0, 0, 1, 0], [], []>, transpose_lhs_hint = false} : vector<2048x256xf32>, vector<256x256xf32>, vector<2048x256xf32> -> vector<2048x256xf32>
    %add3A_9 = arith.addf %get3A_1, %dot_general3A_8 : vector<2048x256xf32>
    %convert_element_type3A = arith.truncf %add3A_9 : vector<2048x256xf32> to vector<2048x256xbf16>
    %swap3A = arith.constant 0 : index
    %swap3A_10 = arith.constant 0 : index
    %swap3A_11 = vector.load %arg3[%swap3A, %swap3A_10] : memref<2048x256xbf16, #tpu.memory_space<vmem>>, vector<2048x256xbf16>
    tpu.vector_store %arg3[%swap3A, %swap3A_10], %convert_element_type3A {strides = array<i32>} : memref<2048x256xbf16, #tpu.memory_space<vmem>>, vector<2048x256xbf16>,
    return
  }
}

</mosaic_0001>

<sc_bundles>
// kernel: kernel.5.cloned.1.call-start
scs
__scs_entry_jumppad:
0x0: {  	(pc) =	sbr.rel $0x88, $3  }
0x1: {  	(tag) =	ssettag $0x0;
	lr =	simm.s32 $0x1  }
0x2: {  	[smem:$0x3F9C] =	sst lr;
	_ =	strace $0xD0000000  }
0x3: {  	_ = 	snop  }
0x4: {  	_ = 	snop  }
0x5: {  	_ = 	snop  }
0x6: {  	_ = 	snop  }
0x7: {  	_ = 	snop  }
__scs_overlays_trampoline_lowered:
0x8: {  	[smem:$0x3FAB] =	sst s0  }
0x9: {  	[smem:$0x3FAC] =	sst s1  }
0xa: {  	[smem:$0x3FAD] =	sst s2  }
0xb: {  	[smem:$0x3FAE] =	sst s3  }
0xc: {  	[smem:$0x3FAF] =	sst s4  }
0xd: {  	[smem:$0x3FB0] =	sst s5  }
0xe: {  	[smem:$0x3FB1] =	sst s6  }
0xf: {  	[smem:$0x3FB2] =	sst s7  }
0x10: {  	[smem:$0x3FB3] =	sst s8  }
0x11: {  	[smem:$0x3FB4] =	sst s9;
	s0 =	simm.s32 @!p0 $0x0  }
0x12: {  	s1 =	sld [smem:$0x3F9A];
	s0 =	simm.s32 @p0 $0x1  }
0x13: {  	[smem:$0x3FB5] =	sst s0;
	s0 =	simm.s32 @!p1 $0x0  }
0x14: {  	s2 =	sld [smem:$0x3F99];
	s0 =	simm.s32 @p1 $0x1  }
0x15: {  	[smem:$0x3FB6] =	sst s0;
	s0 =	simm.s32 @!p2 $0x0  }
0x16: {  	s3 =	sld [smem:$0x3FDB];
	s0 =	simm.s32 @p2 $0x1  }
0x17: {  	s4 =	simm.s32 $0x1BF5;
	[smem:$0x3FB8] =	sst s0  }
0x18: {  	s0 =	sld [smem:$0x3F9B];
	_ =	swait.ge [sflag:s4], $0x0  }
0x19: {  	s7 =	sld [smem:$0x3F9C]  }
0x1a: {  	s8 =	sadd.s32 $0xFFFFE003, lr  }
0x1b: {  	s9 =	sadd.s32 $0xFFFFFEF7, lr;
	s5 =	simm.s32 $0xFFFFFFFF;
	p2 =	slt.u32 s8, $0xFFFFF086  }
0x1c: {  	p1 =	slt.u32 s9, $0xF7A;
	s5 =	simm.s32 @!p2 $0x0  }
0x1d: {  	s5 =	simm.s32 @p1 $0x1;
	p0 =	seq.s32 s7, s2  }
0x1e: {  	s7 =	smul.u32 @!p0 $0xF7A, s2;
	p2 =	seq.s32 @!p0 s5, $0x0  }
0x1f: {  	s9 =	smul.u32 $0xF7A, s1;
	s8 =	simm.s32 @!p0 $0x1BF5;
	p2 =	por !p2, p0  }
0x20: {  	[sflag:s8] =	ssyncset.s32 @!p0 $0xFFFFF086;
	s6 =	sadd.s32 @!p0 s3, s7;
	s7 =	simm.s32 @!p0 $0x108  }
0x21: {  	s3 =	sadd.s32 s3, s9;
	s6 =	sadd.s32 @!p0 $0x88, s6;
	s7 =	simm.s32 @p2 $0x1082  }
0x22: {  	[simem:s7], [sflag:s8] =	dma.local @!p0 [hbm:s6], $0xF7A  }
0x23: {  	s9 =	sor.u32 $0xD0000000, s2;
	s6 =	simm.s32 $0x108;
	_ =	swait.ge @!p0 [sflag:s8], $0x0  }
0x24: {  	s3 =	sadd.s32 $0x88, s3;
	s6 =	simm.s32 @!p1 $0x1082;
	[sflag:s4] =	ssyncset.s32 $0xFFFFF086  }
0x25: {  	[simem:s6], [sflag:s4] =	dma.local [hbm:s3], $0xF7A  }
0x26: {  	[smem:$0x3F9C] =	sst s1;
	(tag) =	ssettag s2;
	_ =	strace s9  }
0x27: {  	s1 =	sld [smem:$0x3FAC]  }
0x28: {  	s2 =	sld [smem:$0x3FAD]  }
0x29: {  	s4 =	sld [smem:$0x3FAF]  }
0x2a: {  	p0 =	seq.s32 s5, $0x0;
	s5 =	sld [smem:$0x3FB0]  }
0x2b: {  	s6 =	sld [smem:$0x3FB1]  }
0x2c: {  	s7 =	sld [smem:$0x3FB2]  }
0x2d: {  	s3 =	simm.s32 $0x108;
	s8 =	sld [smem:$0x3FB3]  }
0x2e: {  	s3 =	simm.s32 @!p0 $0x1082;
	s9 =	sld [smem:$0x3FB4]  }
0x2f: {  	lr =	sadd.s32 s0, s3;
	s0 =	sld [smem:$0x3FAB]  }
0x30: {  	s3 =	sld [smem:$0x3FAE]  }
0x31: {  	[smem:$0x3FB7] =	sst s10  }
0x32: {  	s10 =	sld [smem:$0x3FB5];
	_ =	sdelay $0x3  }
0x33: {  	p0 =	seq.s32 s10, $0x1;
	s10 =	sld [smem:$0x3FB7];
	_ =	sdelay $0x3  }
0x34: {  	[smem:$0x3FB7] =	sst s10  }
0x35: {  	s10 =	sld [smem:$0x3FB6];
	_ =	sdelay $0x3  }
0x36: {  	p1 =	seq.s32 s10, $0x1;
	s10 =	sld [smem:$0x3FB7];
	_ =	sdelay $0x3  }
0x37: {  	[smem:$0x3FB7] =	sst s10  }
0x38: {  	s10 =	sld [smem:$0x3FB8]  }
0x39: {  	_ = 	snop;
	(pc) =	sbr.ind lr, $3  }
0x3a: {  	_ = 	snop  }
0x3b: {  	_ = 	snop  }
0x3c: {  	p2 =	seq.s32 s10, $0x1;
	s10 =	sld [smem:$0x3FB7]  }
0x3d: {  	_ =	shalt  }
0x3e: {  	_ =	shalt  }
0x3f: {  	_ =	shalt  }
0x40: {  	_ =	shalt  }
0x41: {  	_ =	shalt  }
0x42: {  	_ =	shalt  }
0x43: {  	_ =	shalt  }
0x44: {  	_ =	shalt  }
0x45: {  	_ =	shalt  }
0x46: {  	_ =	shalt  }
0x47: {  	_ =	shalt  }
0x48: {  	_ =	shalt  }
0x49: {  	_ =	shalt  }
0x4a: {  	_ =	shalt  }
0x4b: {  	_ =	shalt  }
0x4c: {  	_ =	shalt  }
0x4d: {  	_ =	shalt  }
0x4e: {  	_ =	shalt  }
0x4f: {  	_ =	shalt  }
0x50: {  	_ =	shalt  }
0x51: {  	_ =	shalt  }
0x52: {  	_ =	shalt  }
0x53: {  	_ =	shalt  }
0x54: {  	_ =	shalt  }
0x55: {  	_ =	shalt  }
0x56: {  	_ =	shalt  }
0x57: {  	_ =	shalt  }
0x58: {  	_ =	shalt  }
0x59: {  	_ =	shalt  }
0x5a: {  	_ =	shalt  }
0x5b: {  	_ =	shalt  }
0x5c: {  	_ =	shalt  }
0x5d: {  	_ =	shalt  }
0x5e: {  	_ =	shalt  }
0x5f: {  	_ =	shalt  }
0x60: {  	_ =	shalt  }
0x61: {  	_ =	shalt  }
0x62: {  	_ =	shalt  }
0x63: {  	_ =	shalt  }
0x64: {  	_ =	shalt  }
0x65: {  	_ =	shalt  }
0x66: {  	_ =	shalt  }
0x67: {  	_ =	shalt  }
0x68: {  	_ =	shalt  }
0x69: {  	_ =	shalt  }
0x6a: {  	_ =	shalt  }
0x6b: {  	_ =	shalt  }
0x6c: {  	_ =	shalt  }
0x6d: {  	_ =	shalt  }
0x6e: {  	_ =	shalt  }
0x6f: {  	_ =	shalt  }
0x70: {  	_ =	shalt  }
0x71: {  	_ =	shalt  }
0x72: {  	_ =	shalt  }
0x73: {  	_ =	shalt  }
0x74: {  	_ =	shalt  }
0x75: {  	_ =	shalt  }
0x76: {  	_ =	shalt  }
0x77: {  	_ =	shalt  }
0x78: {  	_ =	shalt  }
0x79: {  	_ =	shalt  }
0x7a: {  	_ =	shalt  }
0x7b: {  	_ =	shalt  }
0x7c: {  	_ =	shalt  }
0x7d: {  	_ =	shalt  }
0x7e: {  	_ =	shalt  }
0x7f: {  	_ =	shalt  }
0x80: {  	_ =	shalt  }
0x81: {  	_ =	shalt  }
0x82: {  	_ =	shalt  }
0x83: {  	_ =	shalt  }
0x84: {  	_ =	shalt  }
0x85: {  	_ =	shalt  }
0x86: {  	_ =	shalt  }
0x87: {  	_ =	shalt  }
.Lfunc_end0:
.L_simem_size_0:
called_computation_lowered:
.L_overlay_start_0:
0x88: {  	s2 =	sld [smem:$0x3FD9]  }
0x89: {  	s3 =	sld [smem:$0x3FFE];
	_ =	sdelay $0x1  }
0x8a: {  	s1 =	srdreg.scid  }
0x8b: {  	s0 =	sand.u32 $0x1, s1  }
0x8c: {  	s18 =	sshll.u32 s0, $0xA;
	s2 =	sadd.s32 s3, s2  }
0x8d: {  	s2 =	sadd.s32 s2, s18  }
0x8e: {  	[smem:$0x3FC3] =	sst s2  }
0x8f: {  	_ = 	snop  }
0x90: {  	s2 =	sld [smem:$0x3FC8]  }
0x91: {  	s19 =	sld [smem:$0x3FD0];
	(tm) =	ssettm $0x1  }
0x92: {  	s4 =	sld [smem:$0x3FFB];
	_ =	sdelay $0x3  }
0x93: {  	_ =	strace s4  }
0x94: {  	s4 =	sld [smem:$0x3FFC];
	_ =	sdelay $0x3  }
0x95: {  	_ =	strace s4  }
0x96: {  	s4 =	sld [smem:$0x3FFD];
	_ =	sdelay $0x3  }
0x97: {  	_ =	strace s4  }
0x98: {  	_ =	strace $0x8FFFFFFF  }
0x99: {  	s20 =	sld [smem:$0x3FDB];
	_ =	sdelay $0x1  }
0x9a: {  	s5 =	simm.s32 $_scs_section_size  }
0x9b: {  	s6 =	simm.s32 $_size__tile_overlayer_lowered;
	s7 =	simm.s32 $_tile_overlayer_lowered  }
0x9c: {  	s23 =	simm.s32 $0x1BFF;
	s22 =	sshll.u32 s7, $0x1;
	s4 =	sadd.s32 s5, s20  }
0x9d: {  	s8 =	simm.s32 $0x0;
	s21 =	sshll.u32 s6, $0x1;
	s6 =	sadd.s32 s22, s4  }
0x9e: {  	[timem:s8], [sflag:s23] =	dma.local [hbm:s6], s21  }
0x9f: {  	_ =	swait.ge [sflag:s23], s21  }
0xa0: {  	s5 =	ssub.s32 $0x0, s21;
	[sflag:s23] =	ssyncset.done $0x0  }
0xa1: {  	[sflag:s23] =	ssyncadd.s32 s5;
	_ =	sdelay $0x1  }
0xa2: {  	s24 =	simm.s32 $0x1B8B  }
0xa3: {  	_ =	swait.ge [sflag:s24], $0x1  }
0xa4: {  	[sflag:s24] =	ssyncset.done $0x0  }
0xa5: {  	s25 =	simm.s32 $0x1B8E;
	[sflag:s24] =	ssyncadd.s32 $0xFFFFFFFF  }
0xa6: {  	s26 =	simm.s32 $execute0_lowered;
	[smem:$0x3FD2] =	sst s25  }
0xa7: {  	s5 =	sshll.u32 s26, $0x1;
	_ =	strace $0x80000046;
	[dreg:$0x1] =	wrdreg $0xFFFFFFFF  }
0xa8: {  	s28 =	simm.s32 $_size_execute0_lowered;
	s4 =	sadd.s32 s4, s5;
	[dreg:$0x0] =	wrdreg $0x0  }
0xa9: {  	s5 =	sshll.u32 s28, $0x1;
	[dreg:$0x2] =	wrdreg s4  }
0xaa: {  	[dreg:$0x3] =	wrdreg s5  }
0xab: {  	[dreg:$0x4] =	wrdreg $0xC0  }
0xac: {  	_ =	task [dreg:s8], $0x5FFFF  }
0xad: {  	[dreg:$0x1] =	wrdreg $0xFFFFFFFF  }
0xae: {  	[dreg:$0x0] =	wrdreg $0x60  }
0xaf: {  	[dreg:$0x2] =	wrdreg s2  }
0xb0: {  	[dreg:$0x3] =	wrdreg s19  }
0xb1: {  	[dreg:$0x4] =	wrdreg $0x9  }
0xb2: {  	_ =	task.clear_ibuf [dreg:s8], $0x5FFFF;
	_ =	strace $0x90000046  }
0xb3: {  	s29 =	simm.s32 $0x9;
	_ =	strace $0x80000048  }
0xb4: {  	_ =	swait.ge [sflag:s29], $0x1  }
0xb5: {  	[sflag:s29] =	ssyncadd.s32 $0xFFFFFFFF  }
0xb6: {  	_ =	strace $0x90000048  }
0xb7: {  	_ =	sfence  }
0xb8: {  	s30 =	sld [smem:$0x0];
	_ =	sdelay $0x2  }
0xb9: {  	s31 =	sshll.u32 s1, $0xD;
	s1 =	sshrl.u32 s1, $0x2  }
0xba: {  	s3 =	sand.u32 $0x4000, s31;
	s1 =	sadd.s32 s1, s30  }
0xbb: {  	s0 =	sor.u32 s3, s0;
	s1 =	sshll.u32 s1, $0x11  }
0xbc: {  	s0 =	sor.u32 s1, s0  }
0xbd: {  	s0 =	sadd.s32 $0x8F2B, s0  }
0xbe: {  	[sflag:s0] =	ssyncadd.remote.s32 $0x1  }
0xbf: {  	_ =	sfence.sel $0xFFFF  }
0xc0: {  	[dreg:$0x0] =	wrdreg $0xFFFFFFFF;
	(pc) =	sbr.abs _section_cstart, $3  }
0xc1: {  	[dreg:$0x1] =	wrdreg $0xFFFFFFFF  }
0xc2: {  	_ =	task.clear_ibuf [dreg:s8], $0x2FFFF;
	_ =	strace $0x9FFFFFFF  }
0xc3: {  	(tm) =	ssettm $0x7FFFFFFF  }
tec
execute0_lowered:
.L_overlay_start_1:
0x0: {  	(tag) =	ssettag $0x1  }
0x1: {  	s3 =	rddreg [dreg:$0x0]  }
0x2: {  	s4 =	rddreg [dreg:$0x1]  }
0x3: {  	s0 =	rddreg [dreg:$0x2];
	s5 =	srdreg.scid  }
0x4: {  	s2 =	simm.s32 $0x0;
	s1 =	stileid.u32;
	s9 =	simm.s32 $0x0  }
0x5: {  	s5 =	sand.u32 $0x1, s5;
	s7 =	sshll.u32 s1, $0xB;
	[smem:$0x7FF] =	sst s2  }
0x6: {  	s6 =	ssub.s32 $0x2, s5;
	s5 =	sshll.u32 s5, $0xA;
	_ =	strace $0x80000047  }
0x7: {  	s8 =	sshrl.u32 s6, $0x1;
	s5 =	sor.u32 s5, s7;
	s7 =	simm.s32 $0x2000  }
0x8: {  	s6 =	ssub.s32 s6, s8;
	s3 =	sadd.s32 s3, s5;
	s4 =	sadd.s32 s4, s5  }
0x9: {  	v0 =	vimm.s32 $0x0;
	v1 =	vimm.s32 $0x1;
	s8 =	simm.s32 $0x2;
	s5 =	smax.u32 s6, $0x1;
	s6 =	simm.s32 $0x1  }
.LBB2_1:
0xa: {  	[tilespmem:s2], [sflag:$0x1] =	stream.linear.gather [hbm4b:s3+s2], $0x2000, $0x38;
	[tilespmem:$0x4000] =	vst v63  }
0xb: {  	s10 =	simm.s32 $0x2200  }
0xc: {  	[tilespmem:s10+$0xFFFFFE00] =	vst v0  }
0xd: {  	[tilespmem:s10+$0x1F0] =	vst v0  }
0xe: {  	[tilespmem:s10+$0x1E0] =	vst v0  }
0xf: {  	[tilespmem:s10+$0x1D0] =	vst v0  }
0x10: {  	[tilespmem:s10+$0x1C0] =	vst v0  }
0x11: {  	[tilespmem:s10+$0x1B0] =	vst v0  }
0x12: {  	[tilespmem:s10+$0x1A0] =	vst v0  }
0x13: {  	[tilespmem:s10+$0x190] =	vst v0  }
0x14: {  	[tilespmem:s10+$0x180] =	vst v0  }
0x15: {  	[tilespmem:s10+$0x170] =	vst v0  }
0x16: {  	[tilespmem:s10+$0x160] =	vst v0  }
0x17: {  	[tilespmem:s10+$0x150] =	vst v0  }
0x18: {  	[tilespmem:s10+$0x140] =	vst v0  }
0x19: {  	[tilespmem:s10+$0x130] =	vst v0  }
0x1a: {  	[tilespmem:s10+$0x120] =	vst v0  }
0x1b: {  	[tilespmem:s10+$0x110] =	vst v0  }
0x1c: {  	[tilespmem:s10+$0x100] =	vst v0  }
0x1d: {  	[tilespmem:s10+$0xF0] =	vst v0  }
0x1e: {  	[tilespmem:s10+$0xE0] =	vst v0  }
0x1f: {  	[tilespmem:s10+$0xD0] =	vst v0  }
0x20: {  	[tilespmem:s10+$0xC0] =	vst v0  }
0x21: {  	[tilespmem:s10+$0xB0] =	vst v0  }
0x22: {  	[tilespmem:s10+$0xA0] =	vst v0  }
0x23: {  	[tilespmem:s10+$0x90] =	vst v0  }
0x24: {  	[tilespmem:s10+$0x80] =	vst v0  }
0x25: {  	[tilespmem:s10+$0x70] =	vst v0  }
0x26: {  	[tilespmem:s10+$0x60] =	vst v0  }
0x27: {  	[tilespmem:s10+$0x50] =	vst v0  }
0x28: {  	[tilespmem:s10+$0x40] =	vst v0  }
0x29: {  	[tilespmem:s10+$0x30] =	vst v0  }
0x2a: {  	[tilespmem:s10+$0x20] =	vst v0  }
0x2b: {  	[tilespmem:s10+$0x10] =	vst v0  }
0x2c: {  	[tilespmem:s10+$0x0] =	vst v0  }
0x2d: {  	[tilespmem:s10+$0xFFFFFFF0] =	vst v0  }
0x2e: {  	[tilespmem:s10+$0xFFFFFFE0] =	vst v0  }
0x2f: {  	[tilespmem:s10+$0xFFFFFFD0] =	vst v0  }
0x30: {  	[tilespmem:s10+$0xFFFFFFC0] =	vst v0  }
0x31: {  	[tilespmem:s10+$0xFFFFFFB0] =	vst v0  }
0x32: {  	[tilespmem:s10+$0xFFFFFFA0] =	vst v0  }
0x33: {  	[tilespmem:s10+$0xFFFFFF90] =	vst v0  }
0x34: {  	[tilespmem:s10+$0xFFFFFF80] =	vst v0  }
0x35: {  	[tilespmem:s10+$0xFFFFFF70] =	vst v0  }
0x36: {  	[tilespmem:s10+$0xFFFFFF60] =	vst v0  }
0x37: {  	[tilespmem:s10+$0xFFFFFF50] =	vst v0  }
0x38: {  	[tilespmem:s10+$0xFFFFFF40] =	vst v0  }
0x39: {  	[tilespmem:s10+$0xFFFFFF30] =	vst v0  }
0x3a: {  	[tilespmem:s10+$0xFFFFFF20] =	vst v0  }
0x3b: {  	[tilespmem:s10+$0xFFFFFF10] =	vst v0  }
0x3c: {  	[tilespmem:s10+$0xFFFFFF00] =	vst v0  }
0x3d: {  	[tilespmem:s10+$0xFFFFFEF0] =	vst v0  }
0x3e: {  	[tilespmem:s10+$0xFFFFFEE0] =	vst v0  }
0x3f: {  	[tilespmem:s10+$0xFFFFFED0] =	vst v0  }
0x40: {  	[tilespmem:s10+$0xFFFFFEC0] =	vst v0  }
0x41: {  	[tilespmem:s10+$0xFFFFFEB0] =	vst v0  }
0x42: {  	[tilespmem:s10+$0xFFFFFEA0] =	vst v0  }
0x43: {  	[tilespmem:s10+$0xFFFFFE90] =	vst v0  }
0x44: {  	[tilespmem:s10+$0xFFFFFE80] =	vst v0  }
0x45: {  	[tilespmem:s10+$0xFFFFFE70] =	vst v0  }
0x46: {  	[tilespmem:s10+$0xFFFFFE60] =	vst v0  }
0x47: {  	[tilespmem:s10+$0xFFFFFE50] =	vst v0  }
0x48: {  	[tilespmem:s10+$0xFFFFFE40] =	vst v0  }
0x49: {  	[tilespmem:s10+$0xFFFFFE30] =	vst v0  }
0x4a: {  	s11 =	simm.s32 $0x0;
	[tilespmem:s10+$0xFFFFFE20] =	vst v0  }
.LBB2_2:
0x4b: {  	s11 =	sadd.s32 $0x8, s11;
	[tilespmem:s10+$0xFFFFFE10] =	vst v0;
	s10 =	sadd.s32 $0x400, s10  }
0x4c: {  	[tilespmem:s10+$0xFFFFFE00] =	vst v0;
	p0 =	slt.u32 s11, $0x38  }
0x4d: {  	[tilespmem:s10+$0x1F0] =	vst v0  }
0x4e: {  	[tilespmem:s10+$0x1E0] =	vst v0  }
0x4f: {  	[tilespmem:s10+$0x1D0] =	vst v0  }
0x50: {  	[tilespmem:s10+$0x1C0] =	vst v0  }
0x51: {  	[tilespmem:s10+$0x1B0] =	vst v0  }
0x52: {  	[tilespmem:s10+$0x1A0] =	vst v0  }
0x53: {  	[tilespmem:s10+$0x190] =	vst v0  }
0x54: {  	[tilespmem:s10+$0x180] =	vst v0  }
0x55: {  	[tilespmem:s10+$0x170] =	vst v0  }
0x56: {  	[tilespmem:s10+$0x160] =	vst v0  }
0x57: {  	[tilespmem:s10+$0x150] =	vst v0  }
0x58: {  	[tilespmem:s10+$0x140] =	vst v0  }
0x59: {  	[tilespmem:s10+$0x130] =	vst v0  }
0x5a: {  	[tilespmem:s10+$0x120] =	vst v0  }
0x5b: {  	[tilespmem:s10+$0x110] =	vst v0  }
0x5c: {  	[tilespmem:s10+$0x100] =	vst v0  }
0x5d: {  	[tilespmem:s10+$0xF0] =	vst v0  }
0x5e: {  	[tilespmem:s10+$0xE0] =	vst v0  }
0x5f: {  	[tilespmem:s10+$0xD0] =	vst v0  }
0x60: {  	[tilespmem:s10+$0xC0] =	vst v0  }
0x61: {  	[tilespmem:s10+$0xB0] =	vst v0  }
0x62: {  	[tilespmem:s10+$0xA0] =	vst v0  }
0x63: {  	[tilespmem:s10+$0x90] =	vst v0  }
0x64: {  	[tilespmem:s10+$0x80] =	vst v0  }
0x65: {  	[tilespmem:s10+$0x70] =	vst v0  }
0x66: {  	[tilespmem:s10+$0x60] =	vst v0  }
0x67: {  	[tilespmem:s10+$0x50] =	vst v0  }
0x68: {  	[tilespmem:s10+$0x40] =	vst v0  }
0x69: {  	[tilespmem:s10+$0x30] =	vst v0  }
0x6a: {  	[tilespmem:s10+$0x20] =	vst v0  }
0x6b: {  	[tilespmem:s10+$0x10] =	vst v0  }
0x6c: {  	[tilespmem:s10+$0x0] =	vst v0  }
0x6d: {  	[tilespmem:s10+$0xFFFFFFF0] =	vst v0  }
0x6e: {  	[tilespmem:s10+$0xFFFFFFE0] =	vst v0  }
0x6f: {  	[tilespmem:s10+$0xFFFFFFD0] =	vst v0  }
0x70: {  	[tilespmem:s10+$0xFFFFFFC0] =	vst v0  }
0x71: {  	[tilespmem:s10+$0xFFFFFFB0] =	vst v0  }
0x72: {  	[tilespmem:s10+$0xFFFFFFA0] =	vst v0  }
0x73: {  	[tilespmem:s10+$0xFFFFFF90] =	vst v0  }
0x74: {  	[tilespmem:s10+$0xFFFFFF80] =	vst v0  }
0x75: {  	[tilespmem:s10+$0xFFFFFF70] =	vst v0  }
0x76: {  	[tilespmem:s10+$0xFFFFFF60] =	vst v0  }
0x77: {  	[tilespmem:s10+$0xFFFFFF50] =	vst v0  }
0x78: {  	[tilespmem:s10+$0xFFFFFF40] =	vst v0  }
0x79: {  	[tilespmem:s10+$0xFFFFFF30] =	vst v0  }
0x7a: {  	[tilespmem:s10+$0xFFFFFF20] =	vst v0  }
0x7b: {  	[tilespmem:s10+$0xFFFFFF10] =	vst v0  }
0x7c: {  	[tilespmem:s10+$0xFFFFFF00] =	vst v0  }
0x7d: {  	[tilespmem:s10+$0xFFFFFEF0] =	vst v0  }
0x7e: {  	[tilespmem:s10+$0xFFFFFEE0] =	vst v0  }
0x7f: {  	[tilespmem:s10+$0xFFFFFED0] =	vst v0  }
0x80: {  	[tilespmem:s10+$0xFFFFFEC0] =	vst v0  }
0x81: {  	[tilespmem:s10+$0xFFFFFEB0] =	vst v0  }
0x82: {  	[tilespmem:s10+$0xFFFFFEA0] =	vst v0  }
0x83: {  	[tilespmem:s10+$0xFFFFFE90] =	vst v0  }
0x84: {  	[tilespmem:s10+$0xFFFFFE80] =	vst v0  }
0x85: {  	[tilespmem:s10+$0xFFFFFE70] =	vst v0  }
.Ltmp0:
0x86: {  	[tilespmem:s10+$0xFFFFFE60] =	vst v0;
	(pc) =	sbr.rel @p0 .LBB2_2-.Ltmp0, $4  }
0x87: {  	[tilespmem:s10+$0xFFFFFE50] =	vst v0  }
0x88: {  	[tilespmem:s10+$0xFFFFFE40] =	vst v0  }
0x89: {  	[tilespmem:s10+$0xFFFFFE30] =	vst v0  }
0x8a: {  	[tilespmem:s10+$0xFFFFFE20] =	vst v0  }
0x8b: {  	[tilespmem:s10+$0xFFFFFE10] =	vst v0  }
0x8c: {  	_ =	swait.ge [sflag:s6], $0x2000  }
0x8d: {  	[sflag:s6] =	ssyncset.done $0x0  }
0x8e: {  	s18 =	simm.s32 $0x80;
	[sflag:s6] =	ssyncadd.s32 $0xFFFFE000  }
0x8f: {  	v2 =	vld [tilespmem:s18+$0x0];
	_ =	sdelay $0x1  }
0x90: {  	v3 =	vld [tilespmem:s18+$0xFFFFFF80];
	_ =	sdelay $0x2  }
0x91: {  	s17 =	simm.s32 $0x80;
	v4 =	vand.u32 $0x7F, v2  }
0x92: {  	v4 =	vor.u32 s17, v4  }
0x93: {  	s16 =	simm.s32 $0x0;
	v5 =	vand.u32 $0x7F, v3  }
0x94: {  	v2 =	vshrl.u32 v2, $0x4;
	v5 =	vor.u32 s16, v5  }
0x95: {  	v2 =	vand.u32 $0xFFFFFF8, v2  }
0x96: {  	v3 =	vshrl.u32 v3, $0x4;
	v2 =	vshll.u32 v1, v2  }
0x97: {  	v3 =	vand.u32 $0xFFFFFF8, v3;
	[tilespmem:v4+s7+$0x0] =	vst.idx.add.s32.msk $0xffff, v2  }
0x98: {  	v2 =	vshll.u32 v1, v3;
	v3 =	vld [tilespmem:s18+$0x10]  }
0x99: {  	[tilespmem:v5+s7+$0x0] =	vst.idx.add.s32.msk $0xffff, v2  }
0x9a: {  	v2 =	vld [tilespmem:s18+$0xFFFFFF90];
	_ =	sdelay $0x2  }
0x9b: {  	v4 =	vand.u32 $0x7F, v3  }
0x9c: {  	v4 =	vor.u32 s17, v4  }
0x9d: {  	v5 =	vand.u32 $0x7F, v2  }
0x9e: {  	v3 =	vshrl.u32 v3, $0x4;
	v5 =	vor.u32 s16, v5  }
0x9f: {  	v3 =	vand.u32 $0xFFFFFF8, v3  }
0xa0: {  	v2 =	vshrl.u32 v2, $0x4;
	v3 =	vshll.u32 v1, v3  }
0xa1: {  	v2 =	vand.u32 $0xFFFFFF8, v2;
	[tilespmem:v4+s7+$0x0] =	vst.idx.add.s32.msk $0xffff, v3  }
0xa2: {  	v2 =	vshll.u32 v1, v2;
	v3 =	vld [tilespmem:s18+$0x20]  }
0xa3: {  	[tilespmem:v5+s7+$0x0] =	vst.idx.add.s32.msk $0xffff, v2  }
0xa4: {  	v2 =	vld [tilespmem:s18+$0xFFFFFFA0];
	_ =	sdelay $0x2  }
0xa5: {  	v4 =	vand.u32 $0x7F, v3  }
0xa6: {  	v4 =	vor.u32 s17, v4  }
0xa7: {  	s12 =	simm.s32 $0x180;
	v5 =	vand.u32 $0x7F, v2  }
0xa8: {  	v6 =	vld [tilespmem:s12+$0x0];
	v3 =	vshrl.u32 v3, $0x4;
	v5 =	vor.u32 s16, v5  }
0xa9: {  	v3 =	vand.u32 $0xFFFFFF8, v3  }
0xaa: {  	v7 =	vld [tilespmem:s12+$0xFFFFFF80];
	v2 =	vshrl.u32 v2, $0x4;
	v3 =	vshll.u32 v1, v3  }
0xab: {  	v2 =	vand.u32 $0xFFFFFF8, v2;
	[tilespmem:v4+s7+$0x0] =	vst.idx.add.s32.msk $0xffff, v3  }
0xac: {  	v2 =	vshll.u32 v1, v2;
	v3 =	vld [tilespmem:s18+$0x30]  }
0xad: {  	s10 =	simm.s32 $0x180;
	v4 =	vand.u32 $0x7F, v6;
	[tilespmem:v5+s7+$0x0] =	vst.idx.add.s32.msk $0xffff, v2  }
0xae: {  	v2 =	vor.u32 s10, v4;
	v4 =	vld [tilespmem:s18+$0xFFFFFFB0]  }
0xaf: {  	s11 =	simm.s32 $0x100;
	v5 =	vand.u32 $0x7F, v7  }
0xb0: {  	v6 =	vshrl.u32 v6, $0x4;
	v5 =	vor.u32 s11, v5  }
0xb1: {  	v6 =	vand.u32 $0xFFFFFF8, v6;
	v8 =	vand.u32 $0x7F, v3  }
0xb2: {  	v7 =	vshrl.u32 v7, $0x4;
	v6 =	vshll.u32 v1, v6;
	v8 =	vor.u32 s17, v8  }
0xb3: {  	v7 =	vand.u32 $0xFFFFFF8, v7;
	[tilespmem:v2+s7+$0x0] =	vst.idx.add.s32.msk $0xffff, v6;
	v2 =	vand.u32 $0x7F, v4  }
0xb4: {  	v6 =	vshll.u32 v1, v7;
	v3 =	vshrl.u32 v3, $0x4;
	v7 =	vld [tilespmem:s12+$0x10];
	v2 =	vor.u32 s16, v2  }
0xb5: {  	[tilespmem:v5+s7+$0x0] =	vst.idx.add.s32.msk $0xffff, v6;
	v3 =	vand.u32 $0xFFFFFF8, v3  }
0xb6: {  	v4 =	vshrl.u32 v4, $0x4;
	v5 =	vld [tilespmem:s12+$0xFFFFFF90];
	v3 =	vshll.u32 v1, v3  }
0xb7: {  	v4 =	vand.u32 $0xFFFFFF8, v4;
	[tilespmem:v8+s7+$0x0] =	vst.idx.add.s32.msk $0xffff, v3  }
0xb8: {  	v3 =	vshll.u32 v1, v4;
	v4 =	vld [tilespmem:s18+$0x40]  }
0xb9: {  	v6 =	vand.u32 $0x7F, v7;
	[tilespmem:v2+s7+$0x0] =	vst.idx.add.s32.msk $0xffff, v3  }
0xba: {  	v2 =	vor.u32 s10, v6;
	v3 =	vld [tilespmem:s18+$0xFFFFFFC0]  }
0xbb: {  	v6 =	vand.u32 $0x7F, v5  }
0xbc: {  	v7 =	vshrl.u32 v7, $0x4;
	v6 =	vor.u32 s11, v6  }
0xbd: {  	v7 =	vand.u32 $0xFFFFFF8, v7;
	v8 =	vand.u32 $0x7F, v4  }
0xbe: {  	v5 =	vshrl.u32 v5, $0x4;
	v7 =	vshll.u32 v1, v7;
	v8 =	vor.u32 s17, v8  }
0xbf: {  	v5 =	vand.u32 $0xFFFFFF8, v5;
	[tilespmem:v2+s7+$0x0] =	vst.idx.add.s32.msk $0xffff, v7;
	v2 =	vand.u32 $0x7F, v3  }
0xc0: {  	v5 =	vshll.u32 v1, v5;
	v4 =	vshrl.u32 v4, $0x4;
	v7 =	vld [tilespmem:s12+$0x20];
	v2 =	vor.u32 s16, v2  }
0xc1: {  	[tilespmem:v6+s7+$0x0] =	vst.idx.add.s32.msk $0xffff, v5;
	v4 =	vand.u32 $0xFFFFFF8, v4  }
0xc2: {  	v3 =	vshrl.u32 v3, $0x4;
	v5 =	vld [tilespmem:s12+$0xFFFFFFA0];
	v4 =	vshll.u32 v1, v4  }
0xc3: {  	v3 =	vand.u32 $0xFFFFFF8, v3;
	[tilespmem:v8+s7+$0x0] =	vst.idx.add.s32.msk $0xffff, v4  }
0xc4: {  	v3 =	vshll.u32 v1, v3;
	v4 =	vld [tilespmem:s18+$0x50]  }
0xc5: {  	v6 =	vand.u32 $0x7F, v7;
	[tilespmem:v2+s7+$0x0] =	vst.idx.add.s32.msk $0xffff, v3  }
0xc6: {  	v2 =	vor.u32 s10, v6;
	v3 =	vld [tilespmem:s18+$0xFFFFFFD0]  }
0xc7: {  	s14 =	simm.s32 $0x280;
	v6 =	vand.u32 $0x7F, v5  }
0xc8: {  	v8 =	vld [tilespmem:s14+$0x0];
	v7 =	vshrl.u32 v7, $0x4;
	v6 =	vor.u32 s11, v6  }
0xc9: {  	v7 =	vand.u32 $0xFFFFFF8, v7;
	v9 =	vand.u32 $0x7F, v4  }
0xca: {  	v10 =	vld [tilespmem:s14+$0xFFFFFF80];
	v5 =	vshrl.u32 v5, $0x4;
	v7 =	vshll.u32 v1, v7;
	v9 =	vor.u32 s17, v9  }
0xcb: {  	v5 =	vand.u32 $0xFFFFFF8, v5;
	[tilespmem:v2+s7+$0x0] =	vst.idx.add.s32.msk $0xffff, v7;
	v2 =	vand.u32 $0x7F, v3  }
0xcc: {  	v5 =	vshll.u32 v1, v5;
	v4 =	vshrl.u32 v4, $0x4;
	v7 =	vld [tilespmem:s12+$0x30];
	v2 =	vor.u32 s16, v2  }
0xcd: {  	s13 =	simm.s32 $0x280;
	v11 =	vand.u32 $0x7F, v8;
	[tilespmem:v6+s7+$0x0] =	vst.idx.add.s32.msk $0xffff, v5;
	v4 =	vand.u32 $0xFFFFFF8, v4  }
0xce: {  	v3 =	vshrl.u32 v3, $0x4;
	v5 =	vor.u32 s13, v11;
	v6 =	vld [tilespmem:s12+$0xFFFFFFB0];
	v4 =	vshll.u32 v1, v4  }
0xcf: {  	s15 =	simm.s32 $0x200;
	v11 =	vand.u32 $0x7F, v10;
	v3 =	vand.u32 $0xFFFFFF8, v3;
	[tilespmem:v9+s7+$0x0] =	vst.idx.add.s32.msk $0xffff, v4  }
0xd0: {  	v8 =	vshrl.u32 v8, $0x4;
	v3 =	vshll.u32 v1, v3;
	v4 =	vor.u32 s15, v11;
	v9 =	vld [tilespmem:s18+$0x60]  }
0xd1: {  	v8 =	vand.u32 $0xFFFFFF8, v8;
	v11 =	vand.u32 $0x7F, v7;
	[tilespmem:v2+s7+$0x0] =	vst.idx.add.s32.msk $0xffff, v3  }
0xd2: {  	v2 =	vshrl.u32 v10, $0x4;
	v3 =	vshll.u32 v1, v8;
	v8 =	vor.u32 s10, v11;
	v10 =	vld [tilespmem:s18+$0xFFFFFFE0]  }
0xd3: {  	v2 =	vand.u32 $0xFFFFFF8, v2;
	[tilespmem:v5+s7+$0x0] =	vst.idx.add.s32.msk $0xffff, v3;
	v3 =	vand.u32 $0x7F, v6  }
0xd4: {  	v7 =	vshrl.u32 v7, $0x4;
	v2 =	vshll.u32 v1, v2;
	v5 =	vld [tilespmem:s14+$0x10];
	v3 =	vor.u32 s11, v3  }
0xd5: {  	[tilespmem:v4+s7+$0x0] =	vst.idx.add.s32.msk $0xffff, v2;
	v2 =	vand.u32 $0xFFFFFF8, v7;
	v4 =	vand.u32 $0x7F, v9  }
0xd6: {  	v6 =	vshrl.u32 v6, $0x4;
	v7 =	vld [tilespmem:s14+$0xFFFFFF90];
	v2 =	vshll.u32 v1, v2;
	v4 =	vor.u32 s17, v4  }
0xd7: {  	v6 =	vand.u32 $0xFFFFFF8, v6;
	[tilespmem:v8+s7+$0x0] =	vst.idx.add.s32.msk $0xffff, v2;
	v2 =	vand.u32 $0x7F, v10  }
0xd8: {  	v6 =	vshll.u32 v1, v6;
	v9 =	vshrl.u32 v9, $0x4;
	v8 =	vld [tilespmem:s12+$0x40];
	v2 =	vor.u32 s16, v2  }
0xd9: {  	v11 =	vand.u32 $0x7F, v5;
	[tilespmem:v3+s7+$0x0] =	vst.idx.add.s32.msk $0xffff, v6;
	v3 =	vand.u32 $0xFFFFFF8, v9  }
0xda: {  	v6 =	vshrl.u32 v10, $0x4;
	v9 =	vor.u32 s13, v11;
	v10 =	vld [tilespmem:s12+$0xFFFFFFC0];
	v3 =	vshll.u32 v1, v3  }
0xdb: {  	v6 =	vand.u32 $0xFFFFFF8, v6;
	v11 =	vand.u32 $0x7F, v7;
	[tilespmem:v4+s7+$0x0] =	vst.idx.add.s32.msk $0xffff, v3  }
0xdc: {  	v5 =	vshrl.u32 v5, $0x4;
	v3 =	vshll.u32 v1, v6;
	v4 =	vor.u32 s15, v11;
	v6 =	vld [tilespmem:s18+$0x70]  }
0xdd: {  	v5 =	vand.u32 $0xFFFFFF8, v5;
	v11 =	vand.u32 $0x7F, v8;
	[tilespmem:v2+s7+$0x0] =	vst.idx.add.s32.msk $0xffff, v3  }
0xde: {  	v2 =	vshrl.u32 v7, $0x4;
	v3 =	vshll.u32 v1, v5;
	v5 =	vor.u32 s10, v11;
	v7 =	vld [tilespmem:s18+$0xFFFFFFF0]  }
0xdf: {  	v2 =	vand.u32 $0xFFFFFF8, v2;
	[tilespmem:v9+s7+$0x0] =	vst.idx.add.s32.msk $0xffff, v3;
	v3 =	vand.u32 $0x7F, v10  }
0xe0: {  	v8 =	vshrl.u32 v8, $0x4;
	v2 =	vshll.u32 v1, v2;
	v11 =	vld [tilespmem:s14+$0x20];
	v3 =	vor.u32 s11, v3  }
0xe1: {  	v9 =	vshrl.u32 v10, $0x4;
	[tilespmem:v4+s7+$0x0] =	vst.idx.add.s32.msk $0xffff, v2;
	v2 =	vand.u32 $0xFFFFFF8, v8  }
0xe2: {  	v8 =	vand.u32 $0xFFFFFF8, v9;
	v4 =	vand.u32 $0x7F, v6;
	v9 =	vld [tilespmem:s14+$0xFFFFFFA0];
	v2 =	vshll.u32 v1, v2  }
0xe3: {  	v8 =	vshll.u32 v1, v8;
	v6 =	vshrl.u32 v6, $0x4;
	v10 =	vor.u32 s17, v4;
	[tilespmem:v5+s7+$0x0] =	vst.idx.add.s32.msk $0xffff, v2  }
0xe4: {  	v2 =	vshrl.u32 v7, $0x4;
	v5 =	vand.u32 $0x7F, v7;
	v6 =	vand.u32 $0xFFFFFF8, v6;
	v4 =	vld [tilespmem:s12+$0x50]  }
0xe5: {  	v7 =	vand.u32 $0xFFFFFF8, v2;
	v2 =	vor.u32 s16, v5;
	[tilespmem:v3+s7+$0x0] =	vst.idx.add.s32.msk $0xffff, v8;
	v8 =	vand.u32 $0x7F, v11  }
0xe6: {  	s16 =	simm.s32 $0x380;
	v3 =	vshll.u32 v1, v7;
	v5 =	vld [tilespmem:s12+$0xFFFFFFD0];
	v7 =	vshll.u32 v1, v6;
	v6 =	vor.u32 s13, v8  }
0xe7: {  	v8 =	vld [tilespmem:s16+$0x0];
	v12 =	vshrl.u32 v9, $0x4;
	v13 =	vand.u32 $0x7F, v9  }
0xe8: {  	s18 =	simm.s32 $0x6;
	s17 =	simm.s32 $0x8;
	[tilespmem:v10+s7+$0x0] =	vst.idx.add.s32.msk $0xffff, v7;
	v9 =	vand.u32 $0xFFFFFF8, v12;
	v7 =	vor.u32 s15, v13;
	v10 =	vshrl.u32 v11, $0x4  }
.LBB2_4:
0xe9: {  	p0 =	slt.u32 s17, $0x3E;
	v11 =	vld [tilespmem:s16+$0xFFFFFF80];
	v9 =	vshll.u32 v1, v9;
	v10 =	vand.u32 $0xFFFFFF8, v10;
	v12 =	vand.u32 $0x7F, v4  }
0xea: {  	v10 =	vshll.u32 v1, v10;
	v12 =	vor.u32 s10, v12;
	[tilespmem:v2+s7+$0x0] =	vst.idx.add.s32.msk $0xffff, v3  }
0xeb: {  	[tilespmem:v6+s7+$0x0] =	vst.idx.add.s32.msk $0xffff, v10;
	v2 =	vshrl.u32 v5, $0x4;
	v3 =	vand.u32 $0x7F, v5  }
0xec: {  	s19 =	sshll.u32 s18, $0x7;
	v4 =	vshrl.u32 v4, $0x4;
	s18 =	smov.u32 s17;
	v5 =	vld [tilespmem:s14+$0x30];
	v2 =	vand.u32 $0xFFFFFF8, v2;
	v3 =	vor.u32 s11, v3  }
0xed: {  	s20 =	sadd.s32 $0x80, s19;
	v4 =	vand.u32 $0xFFFFFF8, v4;
	v6 =	vand.u32 $0x7F, v8;
	[tilespmem:v7+s7+$0x0] =	vst.idx.add.s32.msk $0xffff, v9;
	v2 =	vshll.u32 v1, v2  }
0xee: {  	v4 =	vshll.u32 v1, v4;
	v7 =	vshrl.u32 v11, $0x4;
	v6 =	vor.u32 s20, v6;
	v9 =	vld [tilespmem:s14+$0xFFFFFFB0]  }
0xef: {  	v10 =	vand.u32 $0x7F, v11;
	v7 =	vand.u32 $0xFFFFFF8, v7;
	[tilespmem:v12+s7+$0x0] =	vst.idx.add.s32.msk $0xffff, v4  }
0xf0: {  	v8 =	vshrl.u32 v8, $0x4;
	v4 =	vshll.u32 v1, v7;
	v7 =	vor.u32 s19, v10;
	v10 =	vld [tilespmem:s12+$0x60]  }
0xf1: {  	v8 =	vand.u32 $0xFFFFFF8, v8;
	v11 =	vand.u32 $0x7F, v5;
	[tilespmem:v3+s7+$0x0] =	vst.idx.add.s32.msk $0xffff, v2  }
0xf2: {  	v2 =	vshll.u32 v1, v8;
	v3 =	vor.u32 s13, v11;
	v8 =	vld [tilespmem:s12+$0xFFFFFFE0]  }
0xf3: {  	[tilespmem:v6+s7+$0x0] =	vst.idx.add.s32.msk $0xffff, v2;
	v2 =	vshrl.u32 v9, $0x4;
	v6 =	vand.u32 $0x7F, v9  }
0xf4: {  	v5 =	vshrl.u32 v5, $0x4;
	v9 =	vld [tilespmem:s16+$0x10];
	v2 =	vand.u32 $0xFFFFFF8, v2;
	v6 =	vor.u32 s15, v6  }
0xf5: {  	[tilespmem:v7+s7+$0x0] =	vst.idx.add.s32.msk $0xffff, v4;
	v2 =	vshll.u32 v1, v2;
	v4 =	vand.u32 $0xFFFFFF8, v5;
	v5 =	vand.u32 $0x7F, v10  }
0xf6: {  	v7 =	vld [tilespmem:s16+$0xFFFFFF90];
	v4 =	vshll.u32 v1, v4;
	v5 =	vor.u32 s10, v5  }
0xf7: {  	[tilespmem:v3+s7+$0x0] =	vst.idx.add.s32.msk $0xffff, v4;
	v3 =	vshrl.u32 v8, $0x4;
	v4 =	vand.u32 $0x7F, v8  }
0xf8: {  	v10 =	vshrl.u32 v10, $0x4;
	v8 =	vld [tilespmem:s14+$0x40];
	v3 =	vand.u32 $0xFFFFFF8, v3;
	v4 =	vor.u32 s11, v4  }
0xf9: {  	v11 =	vand.u32 $0x7F, v9;
	[tilespmem:v6+s7+$0x0] =	vst.idx.add.s32.msk $0xffff, v2;
	v2 =	vshll.u32 v1, v3;
	v3 =	vand.u32 $0xFFFFFF8, v10  }
0xfa: {  	v6 =	vor.u32 s20, v11;
	v10 =	vld [tilespmem:s14+$0xFFFFFFC0];
	v3 =	vshll.u32 v1, v3  }
0xfb: {  	v11 =	vshrl.u32 v7, $0x4;
	v7 =	vand.u32 $0x7F, v7;
	[tilespmem:v5+s7+$0x0] =	vst.idx.add.s32.msk $0xffff, v3  }
0xfc: {  	v3 =	vand.u32 $0xFFFFFF8, v11;
	v5 =	vor.u32 s19, v7;
	v7 =	vshrl.u32 v9, $0x4;
	v9 =	vld [tilespmem:s12+$0x70]  }
0xfd: {  	v3 =	vshll.u32 v1, v3;
	v7 =	vand.u32 $0xFFFFFF8, v7;
	v11 =	vand.u32 $0x7F, v8;
	[tilespmem:v4+s7+$0x0] =	vst.idx.add.s32.msk $0xffff, v2  }
0xfe: {  	v2 =	vshll.u32 v1, v7;
	v4 =	vor.u32 s13, v11;
	v7 =	vld [tilespmem:s12+$0xFFFFFFF0];
	s12 =	smov.u32 s14;
	s14 =	smov.u32 s16  }
0xff: {  	[tilespmem:v6+s7+$0x0] =	vst.idx.add.s32.msk $0xffff, v2;
	v2 =	vshrl.u32 v10, $0x4;
	v6 =	vand.u32 $0x7F, v10  }
0x100: {  	v8 =	vshrl.u32 v8, $0x4;
	v10 =	vld [tilespmem:s16+$0x20];
	v2 =	vand.u32 $0xFFFFFF8, v2;
	v6 =	vor.u32 s15, v6  }
0x101: {  	[tilespmem:v5+s7+$0x0] =	vst.idx.add.s32.msk $0xffff, v3;
	v3 =	vshll.u32 v1, v2;
	v2 =	vand.u32 $0xFFFFFF8, v8;
	v5 =	vand.u32 $0x7F, v9  }
0x102: {  	v8 =	vld [tilespmem:s16+$0xFFFFFFA0];
	v2 =	vshll.u32 v1, v2;
	v11 =	vor.u32 s10, v5;
	s10 =	smov.u32 s13;
	s13 =	smov.u32 s20  }
0x103: {  	[tilespmem:v4+s7+$0x0] =	vst.idx.add.s32.msk $0xffff, v2;
	v2 =	vshrl.u32 v7, $0x4;
	v5 =	vand.u32 $0x7F, v7  }
.Ltmp1:
0x104: {  	v4 =	vld [tilespmem:s12+$0x50];
	v7 =	vand.u32 $0xFFFFFF8, v2;
	v2 =	vor.u32 s11, v5;
	v5 =	vshrl.u32 v9, $0x4;
	s11 =	smov.u32 s15;
	s15 =	smov.u32 s19;
	(pc) =	sbr.rel @p0 .LBB2_4-.Ltmp1, $4  }
0x105: {  	v9 =	vand.u32 $0x7F, v10;
	[tilespmem:v6+s7+$0x0] =	vst.idx.add.s32.msk $0xffff, v3;
	v3 =	vshll.u32 v1, v7;
	v7 =	vand.u32 $0xFFFFFF8, v5  }
0x106: {  	v6 =	vor.u32 s13, v9;
	v5 =	vld [tilespmem:s12+$0xFFFFFFD0];
	v7 =	vshll.u32 v1, v7  }
0x107: {  	s16 =	sadd.s32 $0x100, s16;
	v9 =	vshrl.u32 v8, $0x4;
	v12 =	vand.u32 $0x7F, v8;
	[tilespmem:v11+s7+$0x0] =	vst.idx.add.s32.msk $0xffff, v7  }
0x108: {  	s17 =	sadd.s32 $0x2, s17;
	v10 =	vshrl.u32 v10, $0x4;
	v8 =	vld [tilespmem:s16+$0x0];
	v9 =	vand.u32 $0xFFFFFF8, v9;
	v7 =	vor.u32 s15, v12  }
0x109: {  	_ = 	snop  }
0x10a: {  	v11 =	vld [tilespmem:s16+$0xFFFFFF80];
	_ =	sdelay $0x1  }
0x10b: {  	s17 =	sshll.u32 s18, $0x7  }
0x10c: {  	s18 =	sadd.s32 $0x80, s17;
	v12 =	vand.u32 $0x7F, v8  }
0x10d: {  	v12 =	vor.u32 s18, v12  }
0x10e: {  	v13 =	vand.u32 $0x7F, v11  }
0x10f: {  	v43 =	vshrl.u32 v8, $0x4;
	v13 =	vor.u32 s17, v13  }
0x110: {  	v8 =	vand.u32 $0xFFFFFF8, v43  }
0x111: {  	v11 =	vshrl.u32 v11, $0x4;
	v8 =	vshll.u32 v1, v8  }
0x112: {  	v11 =	vand.u32 $0xFFFFFF8, v11;
	[tilespmem:v12+s7+$0x0] =	vst.idx.add.s32.msk $0xffff, v8  }
0x113: {  	v44 =	vshll.u32 v1, v11;
	v45 =	vld [tilespmem:s16+$0x10]  }
0x114: {  	[tilespmem:v13+s7+$0x0] =	vst.idx.add.s32.msk $0xffff, v44  }
0x115: {  	v8 =	vld [tilespmem:s16+$0xFFFFFF90];
	_ =	sdelay $0x2  }
0x116: {  	v46 =	vand.u32 $0x7F, v45  }
0x117: {  	v12 =	vor.u32 s18, v46  }
0x118: {  	v10 =	vand.u32 $0xFFFFFF8, v10;
	v47 =	vand.u32 $0x7F, v8  }
0x119: {  	v10 =	vshll.u32 v1, v10;
	v11 =	vshrl.u32 v45, $0x4;
	v13 =	vor.u32 s17, v47  }
0x11a: {  	[tilespmem:v6+s7+$0x0] =	vst.idx.add.s32.msk $0xffff, v10;
	v11 =	vand.u32 $0xFFFFFF8, v11  }
0x11b: {  	v10 =	vld [tilespmem:s14+$0x30];
	v8 =	vshrl.u32 v8, $0x4;
	v11 =	vshll.u32 v1, v11  }
0x11c: {  	v8 =	vand.u32 $0xFFFFFF8, v8;
	[tilespmem:v12+s7+$0x0] =	vst.idx.add.s32.msk $0xffff, v11  }
0x11d: {  	v8 =	vshll.u32 v1, v8;
	v11 =	vld [tilespmem:s16+$0x20]  }
0x11e: {  	[tilespmem:v13+s7+$0x0] =	vst.idx.add.s32.msk $0xffff, v8  }
0x11f: {  	v9 =	vshll.u32 v1, v9;
	v8 =	vld [tilespmem:s16+$0xFFFFFFA0]  }
0x120: {  	[tilespmem:v7+s7+$0x0] =	vst.idx.add.s32.msk $0xffff, v9;
	v53 =	vand.u32 $0x7F, v10  }
0x121: {  	v9 =	vld [tilespmem:s14+$0xFFFFFFB0];
	v54 =	vor.u32 s13, v53  }
0x122: {  	v48 =	vand.u32 $0x7F, v11  }
0x123: {  	v10 =	vshrl.u32 v10, $0x4;
	v12 =	vor.u32 s18, v48  }
0x124: {  	v10 =	vand.u32 $0xFFFFFF8, v10;
	v49 =	vand.u32 $0x7F, v8  }
0x125: {  	v10 =	vshll.u32 v1, v10;
	v11 =	vshrl.u32 v11, $0x4;
	v6 =	vor.u32 s17, v49  }
0x126: {  	v55 =	vand.u32 $0x7F, v9;
	[tilespmem:v54+s7+$0x0] =	vst.idx.add.s32.msk $0xffff, v10;
	v50 =	vand.u32 $0xFFFFFF8, v11  }
0x127: {  	v10 =	vld [tilespmem:s14+$0x40];
	v8 =	vshrl.u32 v8, $0x4;
	v11 =	vor.u32 s15, v55;
	v7 =	vshll.u32 v1, v50  }
0x128: {  	v8 =	vand.u32 $0xFFFFFF8, v8;
	[tilespmem:v12+s7+$0x0] =	vst.idx.add.s32.msk $0xffff, v7  }
0x129: {  	v9 =	vshrl.u32 v9, $0x4;
	v51 =	vshll.u32 v1, v8;
	v52 =	vld [tilespmem:s16+$0x30]  }
0x12a: {  	v9 =	vand.u32 $0xFFFFFF8, v9;
	[tilespmem:v6+s7+$0x0] =	vst.idx.add.s32.msk $0xffff, v51  }
0x12b: {  	v9 =	vshll.u32 v1, v9;
	v7 =	vld [tilespmem:s16+$0xFFFFFFB0]  }
0x12c: {  	v58 =	vand.u32 $0x7F, v10;
	[tilespmem:v11+s7+$0x0] =	vst.idx.add.s32.msk $0xffff, v9  }
0x12d: {  	v59 =	vor.u32 s13, v58;
	v9 =	vld [tilespmem:s14+$0xFFFFFFC0]  }
0x12e: {  	v56 =	vand.u32 $0x7F, v52  }
0x12f: {  	v10 =	vshrl.u32 v10, $0x4;
	v12 =	vor.u32 s18, v56  }
0x130: {  	v10 =	vand.u32 $0xFFFFFF8, v10;
	v57 =	vand.u32 $0x7F, v7  }
0x131: {  	v10 =	vshll.u32 v1, v10;
	v8 =	vshrl.u32 v52, $0x4;
	v6 =	vor.u32 s17, v57  }
0x132: {  	[tilespmem:v59+s7+$0x0] =	vst.idx.add.s32.msk $0xffff, v10;
	v60 =	vand.u32 $0x7F, v9;
	v8 =	vand.u32 $0xFFFFFF8, v8  }
0x133: {  	v10 =	vld [tilespmem:s14+$0x50];
	v7 =	vshrl.u32 v7, $0x4;
	v11 =	vor.u32 s15, v60;
	v8 =	vshll.u32 v1, v8  }
0x134: {  	v7 =	vand.u32 $0xFFFFFF8, v7;
	[tilespmem:v12+s7+$0x0] =	vst.idx.add.s32.msk $0xffff, v8  }
0x135: {  	v9 =	vshrl.u32 v9, $0x4;
	v7 =	vshll.u32 v1, v7;
	v8 =	vld [tilespmem:s16+$0x40]  }
0x136: {  	v63 =	vand.u32 $0x7F, v4;
	v9 =	vand.u32 $0xFFFFFF8, v9;
	[tilespmem:v6+s7+$0x0] =	vst.idx.add.s32.msk $0xffff, v7  }
0x137: {  	v16 =	vor.u32 s10, v63;
	v17 =	vand.u32 $0x7F, v5;
	v9 =	vshll.u32 v1, v9;
	v7 =	vld [tilespmem:s16+$0xFFFFFFC0]  }
0x138: {  	v19 =	vshrl.u32 v4, $0x4;
	v18 =	vor.u32 s11, v17;
	v20 =	vand.u32 $0x7F, v10;
	[tilespmem:v11+s7+$0x0] =	vst.idx.add.s32.msk $0xffff, v9  }
0x139: {  	v4 =	vand.u32 $0xFFFFFF8, v19;
	v22 =	vor.u32 s13, v20;
	v11 =	vld [tilespmem:s14+$0xFFFFFFD0]  }
0x13a: {  	v21 =	vshrl.u32 v5, $0x4;
	v4 =	vshll.u32 v1, v4;
	v61 =	vand.u32 $0x7F, v8  }
0x13b: {  	v5 =	vand.u32 $0xFFFFFF8, v21;
	v10 =	vshrl.u32 v10, $0x4;
	v12 =	vor.u32 s18, v61  }
0x13c: {  	v5 =	vshll.u32 v1, v5;
	[tilespmem:v16+s7+$0x0] =	vst.idx.add.s32.msk $0xffff, v4;
	v24 =	vand.u32 $0xFFFFFF8, v10;
	v62 =	vand.u32 $0x7F, v7  }
0x13d: {  	[tilespmem:v18+s7+$0x0] =	vst.idx.add.s32.msk $0xffff, v5;
	v5 =	vshll.u32 v1, v24;
	v8 =	vshrl.u32 v8, $0x4;
	v6 =	vor.u32 s17, v62  }
0x13e: {  	[tilespmem:v22+s7+$0x0] =	vst.idx.add.s32.msk $0xffff, v5;
	v23 =	vand.u32 $0x7F, v11;
	v8 =	vand.u32 $0xFFFFFF8, v8  }
0x13f: {  	v29 =	vld [tilespmem:s14+$0x60];
	v7 =	vshrl.u32 v7, $0x4;
	v4 =	vor.u32 s15, v23;
	v8 =	vshll.u32 v1, v8  }
0x140: {  	v7 =	vand.u32 $0xFFFFFF8, v7;
	[tilespmem:v12+s7+$0x0] =	vst.idx.add.s32.msk $0xffff, v8  }
0x141: {  	v11 =	vshrl.u32 v11, $0x4;
	v7 =	vshll.u32 v1, v7;
	v12 =	vld [tilespmem:s16+$0x50]  }
0x142: {  	v11 =	vand.u32 $0xFFFFFF8, v11;
	[tilespmem:v6+s7+$0x0] =	vst.idx.add.s32.msk $0xffff, v7  }
0x143: {  	v28 =	vshll.u32 v1, v11;
	v7 =	vld [tilespmem:s16+$0xFFFFFFD0]  }
0x144: {  	[tilespmem:v4+s7+$0x0] =	vst.idx.add.s32.msk $0xffff, v28  }
0x145: {  	v33 =	vld [tilespmem:s14+$0xFFFFFFE0]  }
0x146: {  	v25 =	vand.u32 $0x7F, v12  }
0x147: {  	v26 =	vld [tilespmem:s12+$0xFFFFFFE0];
	v8 =	vor.u32 s18, v25  }
0x148: {  	v27 =	vand.u32 $0x7F, v7  }
0x149: {  	v9 =	vld [tilespmem:s12+$0x60];
	v12 =	vshrl.u32 v12, $0x4;
	v5 =	vor.u32 s17, v27  }
0x14a: {  	v38 =	vand.u32 $0x7F, v29;
	v43 =	vand.u32 $0x7F, v33;
	v31 =	vand.u32 $0xFFFFFF8, v12  }
0x14b: {  	v7 =	vshrl.u32 v7, $0x4;
	v6 =	vor.u32 s15, v43;
	v4 =	vshll.u32 v1, v31  }
0x14c: {  	v34 =	vand.u32 $0x7F, v26;
	v41 =	vor.u32 s13, v38;
	v7 =	vand.u32 $0xFFFFFF8, v7;
	[tilespmem:v8+s7+$0x0] =	vst.idx.add.s32.msk $0xffff, v4  }
0x14d: {  	v35 =	vor.u32 s11, v34;
	v12 =	vshrl.u32 v33, $0x4;
	v7 =	vshll.u32 v1, v7;
	v37 =	vld [tilespmem:s16+$0x60]  }
0x14e: {  	v30 =	vand.u32 $0x7F, v9;
	v11 =	vshrl.u32 v29, $0x4;
	v12 =	vand.u32 $0xFFFFFF8, v12;
	[tilespmem:v5+s7+$0x0] =	vst.idx.add.s32.msk $0xffff, v7  }
0x14f: {  	v32 =	vor.u32 s10, v30;
	v44 =	vand.u32 $0xFFFFFF8, v11;
	v48 =	vshll.u32 v1, v12;
	v42 =	vld [tilespmem:s16+$0xFFFFFFE0]  }
0x150: {  	v39 =	vshrl.u32 v26, $0x4;
	v36 =	vshrl.u32 v9, $0x4;
	v4 =	vshll.u32 v1, v44;
	[tilespmem:v6+s7+$0x0] =	vst.idx.add.s32.msk $0xffff, v48  }
0x151: {  	v8 =	vand.u32 $0xFFFFFF8, v36;
	v5 =	vand.u32 $0xFFFFFF8, v39;
	[tilespmem:v41+s7+$0x0] =	vst.idx.add.s32.msk $0xffff, v4  }
0x152: {  	v40 =	vshll.u32 v1, v8;
	v8 =	vld [tilespmem:s14+$0xFFFFFFF0];
	v5 =	vshll.u32 v1, v5;
	v45 =	vand.u32 $0x7F, v37  }
0x153: {  	[tilespmem:v35+s7+$0x0] =	vst.idx.add.s32.msk $0xffff, v5;
	v5 =	vor.u32 s18, v45  }
0x154: {  	[tilespmem:v32+s7+$0x0] =	vst.idx.add.s32.msk $0xffff, v40;
	v47 =	vand.u32 $0x7F, v42  }
0x155: {  	v49 =	vld [tilespmem:s14+$0x70];
	v9 =	vshrl.u32 v37, $0x4;
	v4 =	vor.u32 s17, v47  }
0x156: {  	v7 =	vld [tilespmem:s12+$0x70];
	v50 =	vand.u32 $0xFFFFFF8, v9  }
0x157: {  	v46 =	vld [tilespmem:s12+$0xFFFFFFF0];
	v51 =	vshrl.u32 v42, $0x4;
	v6 =	vshll.u32 v1, v50  }
0x158: {  	v9 =	vand.u32 $0xFFFFFF8, v51;
	[tilespmem:v5+s7+$0x0] =	vst.idx.add.s32.msk $0xffff, v6  }
0x159: {  	v52 =	vshll.u32 v1, v9;
	v6 =	vld [tilespmem:s16+$0x70]  }
0x15a: {  	[tilespmem:v4+s7+$0x0] =	vst.idx.add.s32.msk $0xffff, v52  }
0x15b: {  	v58 =	vand.u32 $0x7F, v8;
	v60 =	vshrl.u32 v8, $0x4;
	v57 =	vand.u32 $0x7F, v49;
	v56 =	vld [tilespmem:s16+$0xFFFFFFF0]  }
0x15c: {  	v13 =	vor.u32 s15, v58;
	v53 =	vand.u32 $0x7F, v7;
	v11 =	vor.u32 s13, v57  }
0x15d: {  	[tilespmem:v2+s7+$0x0] =	vst.idx.add.s32.msk $0xffff, v3;
	v2 =	vshrl.u32 v49, $0x4;
	v55 =	vand.u32 $0x7F, v46;
	v4 =	vor.u32 s10, v53  }
0x15e: {  	v7 =	vshrl.u32 v7, $0x4;
	v2 =	vand.u32 $0xFFFFFF8, v2;
	v9 =	vor.u32 s11, v55  }
0x15f: {  	v54 =	vshrl.u32 v46, $0x4;
	v7 =	vand.u32 $0xFFFFFF8, v7;
	v14 =	vand.u32 $0x7F, v6  }
0x160: {  	v2 =	vshll.u32 v1, v2;
	v3 =	vor.u32 s18, v14;
	v59 =	vand.u32 $0x7F, v56  }
0x161: {  	v7 =	vshll.u32 v1, v7;
	v5 =	vand.u32 $0xFFFFFF8, v54;
	[tilespmem:v11+s7+$0x0] =	vst.idx.add.s32.msk $0xffff, v2;
	v61 =	vor.u32 s17, v59  }
0x162: {  	v5 =	vshll.u32 v1, v5;
	[tilespmem:v4+s7+$0x0] =	vst.idx.add.s32.msk $0xffff, v7;
	v4 =	vand.u32 $0xFFFFFF8, v60;
	v62 =	vshrl.u32 v6, $0x4  }
0x163: {  	[tilespmem:v9+s7+$0x0] =	vst.idx.add.s32.msk $0xffff, v5;
	v4 =	vshll.u32 v1, v4;
	v2 =	vshrl.u32 v56, $0x4;
	v5 =	vand.u32 $0xFFFFFF8, v62  }
0x164: {  	s9 =	sadd.s32 $0x1, s9;
	[tilespmem:v13+s7+$0x0] =	vst.idx.add.s32.msk $0xffff, v4;
	v2 =	vand.u32 $0xFFFFFF8, v2;
	v63 =	vshll.u32 v1, v5  }
0x165: {  	p0 =	sne.s32 s9, s5;
	v2 =	vshll.u32 v1, v2;
	[tilespmem:v3+s7+$0x0] =	vst.idx.add.s32.msk $0xffff, v63  }
.Ltmp2:
0x166: {  	[tilespmem:v61+s7+$0x0] =	vst.idx.add.s32.msk $0xffff, v2;
	(pc) =	sbr.rel @p0 .LBB2_1-.Ltmp2, $4  }
0x167: {  	[hbm4b:s4+s2] =	stream.linear.scatter [tilespmem:s7], [sflag:$0x2], $0x2000, $0x38;
	[tilespmem:$0x4000] =	vst v63  }
0x168: {  	_ =	swait.ge [sflag:s8], $0x2000  }
0x169: {  	[sflag:s8] =	ssyncset.done $0x0  }
0x16a: {  	[sflag:s8] =	ssyncadd.s32 $0xFFFFE000  }
0x16b: {  	_ =	sfence.sel $0x180000  }
0x16c: {  	[bflag:$0x0] =	sbarrier.arrive $0xFFFF  }
0x16d: {  	p0 =	sne.s32 s1, $0x0;
	_ =	strace $0x90000047  }
0x16e: {  	s0 =	sadd.s32 @!p0 $0x100000, s0;
	[bflag:$0x2] =	sbarrier.arrive $0xFFFF  }
0x16f: {  	[sflag:s0] =	ssyncadd.tile.s32 @!p0 $0x1;
	_ =	shalt  }
.Lfunc_end2:
_tile_overlayer_lowered:
.L_overlay_start_2:
0x170: {  	(tag) =	ssettag $0x2  }
0x171: {  	s0 =	rddreg [dreg:$0x0];
	s2 =	stileid.u32  }
0x172: {  	s1 =	rddreg [dreg:$0x1];
	p0 =	sne.s32 s2, $0x0  }
0x173: {  	s3 =	rddreg [dreg:$0x2];
	[bflag:$0x3] =	sbarrier.arrive $0xFFFF;
	s2 =	simm.s32 @!p0 $0x1C02  }
0x174: {  	[timem:s3], [sflag:s2] =	dma.local @!p0 [hbm:s0], s1  }
0x175: {  	s0 =	simm.s32 @!p0 $0x2  }
0x176: {  	_ =	swait.ge @!p0 [sflag:s0], s1  }
0x177: {  	s1 =	ssub.s32 @!p0 $0x0, s1;
	[sflag:s0] =	ssyncset.done @!p0 $0x0  }
0x178: {  	[sflag:s0] =	ssyncadd.s32 @!p0 s1  }
0x179: {  	[bflag:$0x3] =	sbarrier.arrive $0xFFFF  }
0x17a: {  	_ =	shalt  }

</sc_bundles>
